<compile_context>
chip_gen: v7x
topology: tpu7x:2x2x1
jax: 0.10.2.dev20260603
libtpu: 0.0.44.dev20260713+nightly
codegen_flags: <defaults>
</compile_context>

<pallas_src>
import functools

import jax
import jax.numpy as jnp
from jax import lax
from jax.experimental import pallas as pl
from jax.experimental.pallas import tpu as pltpu
from jax.experimental.pallas import tpu_sc as plsc

N = 10000
D = 128
E = 320000
NPAD = 10240
NC = 2
NS = 16
NW = NC * NS
K = 128
EPAD = 323584
EPT = EPAD // NW
CHUNKS = EPT // K
RPT = NPAD // NS
PADROW = 10200
_MESH = plsc.VectorSubcoreMesh(core_axis_name="c", subcore_axis_name="s")


def _deg_body(dst_hbm, out0, out1, dst_v, ones_v, zbuf, acc_sh):
    c = lax.axis_index("c")
    s = lax.axis_index("s")
    wid = s * NC + c
    z16 = jnp.zeros((16,), jnp.float32)
    one16 = jnp.ones((16,), jnp.float32)

    def zb(k, _):
        zbuf[k // 8, pl.ds((k % 8) * 16, 16)] = z16
        return 0

    lax.fori_loop(0, K * 8, zb, 0)

    def ob(k, _):
        ones_v[k // 8, pl.ds((k % 8) * 16, 16)] = one16
        return 0

    lax.fori_loop(0, K * 8, ob, 0)
    for b in range(RPT // 128):
        pltpu.sync_copy(zbuf, acc_sh.at[pl.ds(s * RPT + b * 128, 128)])
    plsc.subcore_barrier()

    base0 = wid * EPT

    def chunk(i, _):
        pltpu.sync_copy(dst_hbm.at[pl.ds(base0 + i * K, K)], dst_v)
        pltpu.sync_copy(ones_v, acc_sh.at[dst_v], add=True)
        return 0

    lax.fori_loop(0, CHUNKS, chunk, 0)
    plsc.subcore_barrier()

    @pl.when(c == 0)
    def _():
        pltpu.sync_copy(acc_sh.at[pl.ds(s * RPT, RPT)],
                        out0.at[pl.ds(s * RPT, RPT)])

    @pl.when(c == 1)
    def _():
        pltpu.sync_copy(acc_sh.at[pl.ds(s * RPT, RPT)],
                        out1.at[pl.ds(s * RPT, RPT)])


_deg_kernel = functools.partial(
    pl.kernel, _deg_body, mesh=_MESH,
    out_type=[jax.ShapeDtypeStruct((NPAD, 128), jnp.float32),
              jax.ShapeDtypeStruct((NPAD, 128), jnp.float32)],
    scratch_types=[
        pltpu.VMEM((K,), jnp.int32),
        pltpu.VMEM((K, 128), jnp.float32),
        pltpu.VMEM((128, 128), jnp.float32),
        pltpu.VMEM_SHARED((NPAD, 128), jnp.float32),
    ],
)()


def _scat_body(t_hbm, src_hbm, dst_hbm, out0, out1,
               src_v, dst_v, rows_v, zbuf, acc_sh, sem):
    c = lax.axis_index("c")
    s = lax.axis_index("s")
    wid = s * NC + c
    z16 = jnp.zeros((16,), jnp.float32)

    def zb(k, _):
        zbuf[k // 8, pl.ds((k % 8) * 16, 16)] = z16
        return 0

    lax.fori_loop(0, K * 8, zb, 0)
    for b in range(RPT // 128):
        pltpu.sync_copy(zbuf, acc_sh.at[pl.ds(s * RPT + b * 128, 128)])
    plsc.subcore_barrier()

    base0 = wid * EPT

    def chunk(i, _):
        base = base0 + i * K
        pltpu.sync_copy(src_hbm.at[pl.ds(base, K)], src_v)
        pltpu.sync_copy(dst_hbm.at[pl.ds(base, K)], dst_v)
        pltpu.async_copy(t_hbm.at[src_v], rows_v, sem).wait()
        pltpu.sync_copy(rows_v, acc_sh.at[dst_v], add=True)
        return 0

    lax.fori_loop(0, CHUNKS, chunk, 0)
    plsc.subcore_barrier()

    @pl.when(c == 0)
    def _():
        pltpu.sync_copy(acc_sh.at[pl.ds(s * RPT, RPT)],
                        out0.at[pl.ds(s * RPT, RPT)])

    @pl.when(c == 1)
    def _():
        pltpu.sync_copy(acc_sh.at[pl.ds(s * RPT, RPT)],
                        out1.at[pl.ds(s * RPT, RPT)])


_scat_kernel = functools.partial(
    pl.kernel, _scat_body, mesh=_MESH,
    out_type=[jax.ShapeDtypeStruct((NPAD, 128), jnp.float32),
              jax.ShapeDtypeStruct((NPAD, 128), jnp.float32)],
    scratch_types=[
        pltpu.VMEM((K,), jnp.int32),
        pltpu.VMEM((K,), jnp.int32),
        pltpu.VMEM((K, 128), jnp.float32),
        pltpu.VMEM((128, 128), jnp.float32),
        pltpu.VMEM_SHARED((NPAD, 128), jnp.float32),
        pltpu.SemaphoreType.DMA,
    ],
)()


_SPEC_FULL = pl.BlockSpec((NPAD, 128), lambda: (0, 0))
_SPEC_COL = pl.BlockSpec((NPAD, 1), lambda: (0, 0))
_SPEC_W = pl.BlockSpec((128, 128), lambda: (0, 0))
_SPEC_B = pl.BlockSpec((1, 128), lambda: (0, 0))


def _dinv(da_ref, db_ref):
    return lax.rsqrt(da_ref[...] + db_ref[...] + 1.0)


def _b1_body(x_ref, w_ref, da_ref, db_ref, o_ref):
    dinv = _dinv(da_ref, db_ref)
    o_ref[...] = jnp.dot(x_ref[...], w_ref[...],
                         preferred_element_type=jnp.float32) * dinv


def _b2_body(sa_ref, sb_ref, t_ref, da_ref, db_ref, b_ref, w_ref, o_ref):
    dinv = _dinv(da_ref, db_ref)
    agg = (sa_ref[...] + sb_ref[...] + t_ref[...]) * dinv + b_ref[...]
    h = jnp.maximum(agg, 0.0)
    t2 = jnp.dot(h, w_ref[...], preferred_element_type=jnp.float32) * dinv
    rows = lax.broadcasted_iota(jnp.int32, (NPAD, 128), 0)
    o_ref[...] = jnp.where(rows < N, t2, 0.0)


def _b3_body(sa_ref, sb_ref, t_ref, da_ref, db_ref, b_ref, o_ref):
    dinv = _dinv(da_ref, db_ref)
    o_ref[...] = (sa_ref[...] + sb_ref[...] + t_ref[...]) * dinv + b_ref[...]


def kernel(x, edge_index, W1, b1, W2, b2):
    src = edge_index[0].astype(jnp.int32)
    dst = edge_index[1].astype(jnp.int32)
    pad = jnp.full((EPAD - E,), PADROW, jnp.int32)
    src_p = jnp.concatenate([src, pad])
    dst_p = jnp.concatenate([dst, pad])
    x_pad = jnp.pad(x, ((0, NPAD - N), (0, 0)))
    b1r = b1.reshape(1, 128)
    b2r = b2.reshape(1, 128)

    d0, d1 = _deg_kernel(dst_p)
    d0c = d0[:, :1]
    d1c = d1[:, :1]

    f32 = jnp.float32
    t1 = pl.pallas_call(
        _b1_body, out_shape=jax.ShapeDtypeStruct((NPAD, 128), f32),
        in_specs=[_SPEC_FULL, _SPEC_W, _SPEC_COL, _SPEC_COL],
        out_specs=_SPEC_FULL,
    )(x_pad, W1, d0c, d1c)

    s1a, s1b = _scat_kernel(t1, src_p, dst_p)

    t2 = pl.pallas_call(
        _b2_body, out_shape=jax.ShapeDtypeStruct((NPAD, 128), f32),
        in_specs=[_SPEC_FULL, _SPEC_FULL, _SPEC_FULL, _SPEC_COL, _SPEC_COL,
                  _SPEC_B, _SPEC_W],
        out_specs=_SPEC_FULL,
    )(s1a, s1b, t1, d0c, d1c, b1r, W2)

    s2a, s2b = _scat_kernel(t2, src_p, dst_p)

    z = pl.pallas_call(
        _b3_body, out_shape=jax.ShapeDtypeStruct((NPAD, 128), f32),
        in_specs=[_SPEC_FULL, _SPEC_FULL, _SPEC_FULL, _SPEC_COL, _SPEC_COL,
                  _SPEC_B],
        out_specs=_SPEC_FULL,
    )(s2a, s2b, t2, d0c, d1c, b2r)

    return z[:N]

# --- scband reference (transcript-rebuilt; emitter-appended) ---
"""Pipeline reference for scband-mask-gae-11055245820527 (READ-ONLY COPY).

The authoritative reference and input builder live on the scoring server;
editing this copy changes nothing except your own understanding.
"""

import jax, jax.numpy as jnp
import numpy as np

N = 10000
D = 128
H = 128
E = 320000


def setup_inputs(seed: int = 0) -> dict:
    key = jax.random.key(seed)
    k1, k2, k3, k4, k5, k6 = jax.random.split(key, 6)
    x = jax.random.normal(k1, (N, D), dtype=jnp.float32)
    edge_index = jax.random.randint(k2, (2, E), 0, N, dtype=jnp.int64)
    W1 = jax.random.normal(k3, (D, H), dtype=jnp.float32) * (1.0 / np.sqrt(D))
    b1 = jnp.zeros((H,), dtype=jnp.float32)
    W2 = jax.random.normal(k4, (H, H), dtype=jnp.float32) * (1.0 / np.sqrt(H))
    b2 = jnp.zeros((H,), dtype=jnp.float32)
    return {"x": x, "edge_index": edge_index, "W1": W1, "b1": b1, "W2": W2, "b2": b2}


def reference(x, edge_index, W1, b1, W2, b2):
    # MaskGAE.forward(x, edge_index) = self.encoder(x, edge_index)
    # Encoder: 2-layer GCN with self-loops and symmetric normalization.
    n = x.shape[0]
    loops = jnp.arange(n, dtype=edge_index.dtype)
    src = jnp.concatenate([edge_index[0], loops])
    dst = jnp.concatenate([edge_index[1], loops])
    deg = jnp.zeros((n,), dtype=x.dtype).at[dst].add(1.0)
    dinv = jax.lax.rsqrt(jnp.maximum(deg, 1.0))
    norm = dinv[src] * dinv[dst]

    def gcn_layer(h, W, b):
        h = h @ W
        msg = h[src] * norm[:, None]
        agg = jnp.zeros((n, h.shape[1]), dtype=h.dtype).at[dst].add(msg)
        return agg + b

    h = jax.nn.relu(gcn_layer(x, W1, b1))
    z = gcn_layer(h, W2, b2)
    return z

if __name__ == "__main__":
    import jax
    _d = setup_inputs()
    print(jax.jit(kernel)(*tuple(_d.values())))

</pallas_src>

<mosaic_0001>
#map = affine_map<(d0, d1) -> (0)>
#map1 = affine_map<(d0, d1) -> (0, 0)>
module attributes {stable_mosaic.version = 14 : i64} {
  func.func @_deg_body(%arg0: i32, %arg1: i32, %arg2: memref<323584xi32, #tpu.memory_space<hbm>>, %arg3: memref<10240x128xf32, #tpu.memory_space<hbm>>, %arg4: memref<10240x128xf32, #tpu.memory_space<hbm>>, %arg5: memref<128xi32, #tpu.memory_space<vmem>>, %arg6: memref<128x128xf32, #tpu.memory_space<vmem>>, %arg7: memref<128x128xf32, #tpu.memory_space<vmem>>, %arg8: memref<10240x128xf32, #tpu.memory_space<vmem_shared>>) attributes {dimension_semantics = [#tpu.dimension_semantics<core_parallel>, #tpu.dimension_semantics<subcore_parallel>], iteration_bounds = array<i64: 2, 16>, scalar_prefetch = 0 : i64, scratch_operands = 4 : i64, tpu.core_type = #tpu.core_type<sc_vector_subcore>, window_params = [{transform_indices = #map}, {transform_indices = #map1}, {transform_indices = #map1}]} {
    %mul3A = arith.constant 2 : i32
    %mul3A_0 = arith.muli %arg1, %mul3A : i32
    %add3A = arith.addi %mul3A_0, %arg0 : i32
    %broadcast_in_dim3A = arith.constant 0.000000e+00 : f32
    %broadcast_in_dim3A_1 = vector.broadcast %broadcast_in_dim3A : f32 to vector<16xf32>
    %broadcast_in_dim3A_2 = arith.constant 1.000000e+00 : f32
    %broadcast_in_dim3A_3 = vector.broadcast %broadcast_in_dim3A_2 : f32 to vector<16xf32>
    %scan3A = arith.constant 0 : i32
    %scan3A_4 = arith.constant 0 : i32
    %scan3A_5 = arith.constant 1024 : i32
    %scan3A_6 = arith.addi %scan3A_4, %scan3A_5 : i32
    %scan3A_7 = arith.constant 1 : i32
    %scan3A_8 = scf.for %scan3A_54 = %scan3A_4 to %scan3A_6 step %scan3A_7 iter_args(%scan3A_55 = %scan3A) -> (i32)  : i32 {
      %jit3A = arith.constant 8 : i32
      %div3A = arith.divsi %scan3A_54, %jit3A : i32
      %sign3A = arith.constant 0 : i32
      %sign3A_56 = arith.cmpi sgt, %scan3A_54, %sign3A : i32
      %sign3A_57 = arith.extui %sign3A_56 : i1 to i32
      %sign3A_58 = arith.constant 0 : i32
      %sign3A_59 = arith.cmpi slt, %scan3A_54, %sign3A_58 : i32
      %sign3A_60 = arith.extui %sign3A_59 : i1 to i32
      %sign3A_61 = arith.subi %sign3A_57, %sign3A_60 : i32
      %sign3A_62 = arith.constant 0 : i32
      %sign3A_63 = arith.cmpi sgt, %jit3A, %sign3A_62 : i32
      %sign3A_64 = arith.extui %sign3A_63 : i1 to i32
      %sign3A_65 = arith.constant 0 : i32
      %sign3A_66 = arith.cmpi slt, %jit3A, %sign3A_65 : i32
      %sign3A_67 = arith.extui %sign3A_66 : i1 to i32
      %sign3A_68 = arith.subi %sign3A_64, %sign3A_67 : i32
      %ne3A = arith.cmpi ne, %sign3A_61, %sign3A_68 : i32
      %rem3A = arith.remsi %scan3A_54, %jit3A : i32
      %ne3A_69 = arith.constant 0 : i32
      %ne3A_70 = arith.cmpi ne, %rem3A, %ne3A_69 : i32
      %and3A = arith.andi %ne3A, %ne3A_70 : i1
      %sub3A = arith.constant 1 : i32
      %sub3A_71 = arith.subi %div3A, %sub3A : i32
      %select_n3A = arith.select %and3A, %sub3A_71, %div3A : i32
      %jit3A_72 = arith.constant 8 : i32
      %eq3A_73 = arith.constant 0 : i32
      %eq3A_74 = arith.cmpi eq, %jit3A_72, %eq3A_73 : i32
      %jit3A_75 = arith.constant 1 : i32
      %select_n3A_76 = arith.select %eq3A_74, %jit3A_75, %jit3A_72 : i32
      %rem3A_77 = arith.remsi %scan3A_54, %select_n3A_76 : i32
      %ne3A_78 = arith.constant 0 : i32
      %ne3A_79 = arith.cmpi ne, %rem3A_77, %ne3A_78 : i32
      %lt3A = arith.constant 0 : i32
      %lt3A_80 = arith.cmpi slt, %rem3A_77, %lt3A : i32
      %lt3A_81 = arith.constant 0 : i32
      %lt3A_82 = arith.cmpi slt, %select_n3A_76, %lt3A_81 : i32
      %ne3A_83 = arith.xori %lt3A_80, %lt3A_82 : i1
      %and3A_84 = arith.andi %ne3A_83, %ne3A_79 : i1
      %add3A_85 = arith.addi %rem3A_77, %select_n3A_76 : i32
      %select_n3A_86 = arith.select %and3A_84, %add3A_85, %rem3A_77 : i32
      %mul3A_87 = arith.constant 16 : i32
      %mul3A_88 = arith.muli %select_n3A_86, %mul3A_87 : i32
      %swap3A = arith.index_cast %select_n3A : i32 to index
      %swap3A_89 = arith.index_cast %mul3A_88 : i32 to index
      %swap3A_90 = tpu.vector_load %arg7[%swap3A, %swap3A_89] {strides = array<i32>} : memref<128x128xf32, #tpu.memory_space<vmem>>, vector<1x16xf32>,
      %swap3A_91 = vector.shape_cast %swap3A_90 : vector<1x16xf32> to vector<16xf32>
      %swap3A_92 = vector.shape_cast %broadcast_in_dim3A_1 : vector<16xf32> to vector<1x16xf32>
      tpu.vector_store %arg7[%swap3A, %swap3A_89], %swap3A_92 {strides = array<i32>} : memref<128x128xf32, #tpu.memory_space<vmem>>, vector<1x16xf32>,
      %scan3A_93 = arith.constant 0 : i32
      scf.yield %scan3A_93 : i32
    }
    %scan3A_9 = arith.constant 1024 : i32
    %scan3A_10 = arith.constant 0 : i32
    %scan3A_11 = arith.constant 0 : i32
    %scan3A_12 = arith.constant 1024 : i32
    %scan3A_13 = arith.addi %scan3A_11, %scan3A_12 : i32
    %scan3A_14 = arith.constant 1 : i32
    %scan3A_15 = scf.for %scan3A_54 = %scan3A_11 to %scan3A_13 step %scan3A_14 iter_args(%scan3A_55 = %scan3A_10) -> (i32)  : i32 {
      %jit3A = arith.constant 8 : i32
      %div3A = arith.divsi %scan3A_54, %jit3A : i32
      %sign3A = arith.constant 0 : i32
      %sign3A_56 = arith.cmpi sgt, %scan3A_54, %sign3A : i32
      %sign3A_57 = arith.extui %sign3A_56 : i1 to i32
      %sign3A_58 = arith.constant 0 : i32
      %sign3A_59 = arith.cmpi slt, %scan3A_54, %sign3A_58 : i32
      %sign3A_60 = arith.extui %sign3A_59 : i1 to i32
      %sign3A_61 = arith.subi %sign3A_57, %sign3A_60 : i32
      %sign3A_62 = arith.constant 0 : i32
      %sign3A_63 = arith.cmpi sgt, %jit3A, %sign3A_62 : i32
      %sign3A_64 = arith.extui %sign3A_63 : i1 to i32
      %sign3A_65 = arith.constant 0 : i32
      %sign3A_66 = arith.cmpi slt, %jit3A, %sign3A_65 : i32
      %sign3A_67 = arith.extui %sign3A_66 : i1 to i32
      %sign3A_68 = arith.subi %sign3A_64, %sign3A_67 : i32
      %ne3A = arith.cmpi ne, %sign3A_61, %sign3A_68 : i32
      %rem3A = arith.remsi %scan3A_54, %jit3A : i32
      %ne3A_69 = arith.constant 0 : i32
      %ne3A_70 = arith.cmpi ne, %rem3A, %ne3A_69 : i32
      %and3A = arith.andi %ne3A, %ne3A_70 : i1
      %sub3A = arith.constant 1 : i32
      %sub3A_71 = arith.subi %div3A, %sub3A : i32
      %select_n3A = arith.select %and3A, %sub3A_71, %div3A : i32
      %jit3A_72 = arith.constant 8 : i32
      %eq3A_73 = arith.constant 0 : i32
      %eq3A_74 = arith.cmpi eq, %jit3A_72, %eq3A_73 : i32
      %jit3A_75 = arith.constant 1 : i32
      %select_n3A_76 = arith.select %eq3A_74, %jit3A_75, %jit3A_72 : i32
      %rem3A_77 = arith.remsi %scan3A_54, %select_n3A_76 : i32
      %ne3A_78 = arith.constant 0 : i32
      %ne3A_79 = arith.cmpi ne, %rem3A_77, %ne3A_78 : i32
      %lt3A = arith.constant 0 : i32
      %lt3A_80 = arith.cmpi slt, %rem3A_77, %lt3A : i32
      %lt3A_81 = arith.constant 0 : i32
      %lt3A_82 = arith.cmpi slt, %select_n3A_76, %lt3A_81 : i32
      %ne3A_83 = arith.xori %lt3A_80, %lt3A_82 : i1
      %and3A_84 = arith.andi %ne3A_83, %ne3A_79 : i1
      %add3A_85 = arith.addi %rem3A_77, %select_n3A_76 : i32
      %select_n3A_86 = arith.select %and3A_84, %add3A_85, %rem3A_77 : i32
      %mul3A_87 = arith.constant 16 : i32
      %mul3A_88 = arith.muli %select_n3A_86, %mul3A_87 : i32
      %swap3A = arith.index_cast %select_n3A : i32 to index
      %swap3A_89 = arith.index_cast %mul3A_88 : i32 to index
      %swap3A_90 = tpu.vector_load %arg6[%swap3A, %swap3A_89] {strides = array<i32>} : memref<128x128xf32, #tpu.memory_space<vmem>>, vector<1x16xf32>,
      %swap3A_91 = vector.shape_cast %swap3A_90 : vector<1x16xf32> to vector<16xf32>
      %swap3A_92 = vector.shape_cast %broadcast_in_dim3A_3 : vector<16xf32> to vector<1x16xf32>
      tpu.vector_store %arg6[%swap3A, %swap3A_89], %swap3A_92 {strides = array<i32>} : memref<128x128xf32, #tpu.memory_space<vmem>>, vector<1x16xf32>,
      %scan3A_93 = arith.constant 0 : i32
      scf.yield %scan3A_93 : i32
    }
    %scan3A_16 = arith.constant 1024 : i32
    %mul3A_17 = arith.constant 640 : i32
    %mul3A_18 = arith.muli %arg1, %mul3A_17 : i32
    %add3A_19 = arith.constant 0 : i32
    %add3A_20 = arith.addi %mul3A_18, %add3A_19 : i32
    "tpu.region"() ({
      %run_scoped3A = tpu.sem_alloc : memref<!tpu.dma_semaphore, #tpu.memory_space<semaphore_mem>>
      %dma_start3A = arith.constant 0 : i32
      %dma_start3A_54 = tpu.memref_slice %arg8[%add3A_20, %dma_start3A] : memref<10240x128xf32, #tpu.memory_space<vmem_shared>> -> memref<128x128xf32, #tpu.memory_space<vmem_shared>>
      %dma_start3A_55 = arith.constant 0 : i32
      %dma_start3A_56 = tpu.memref_slice %arg8[%add3A_20, %dma_start3A_55] : memref<10240x128xf32, #tpu.memory_space<vmem_shared>> -> memref<128x128xf32, #tpu.memory_space<vmem_shared>>
      tpu.enqueue_dma source(%arg7 : memref<128x128xf32, #tpu.memory_space<vmem>>) target(%dma_start3A_56 : memref<128x128xf32, #tpu.memory_space<vmem_shared>>) target_semaphore(%run_scoped3A : memref<!tpu.dma_semaphore, #tpu.memory_space<semaphore_mem>>)
      %dma_wait3A = arith.constant 0 : i32
      %dma_wait3A_57 = tpu.memref_slice %arg8[%add3A_20, %dma_wait3A] : memref<10240x128xf32, #tpu.memory_space<vmem_shared>> -> memref<128x128xf32, #tpu.memory_space<vmem_shared>>
      %dma_wait3A_58 = arith.constant 0 : i32
      %dma_wait3A_59 = tpu.memref_slice %arg8[%add3A_20, %dma_wait3A_58] : memref<10240x128xf32, #tpu.memory_space<vmem_shared>> -> memref<128x128xf32, #tpu.memory_space<vmem_shared>>
      tpu.wait_dma2 semaphore(%run_scoped3A : memref<!tpu.dma_semaphore, #tpu.memory_space<semaphore_mem>>) src(%arg7 : memref<128x128xf32, #tpu.memory_space<vmem>>) dst(%dma_wait3A_59 : memref<128x128xf32, #tpu.memory_space<vmem_shared>>)
      tpu.yield
    }) : () -> ()
    %mul3A_21 = arith.constant 640 : i32
    %mul3A_22 = arith.muli %arg1, %mul3A_21 : i32
    %add3A_23 = arith.constant 128 : i32
    %add3A_24 = arith.addi %mul3A_22, %add3A_23 : i32
    "tpu.region"() ({
      %run_scoped3A = tpu.sem_alloc : memref<!tpu.dma_semaphore, #tpu.memory_space<semaphore_mem>>
      %dma_start3A = arith.constant 0 : i32
      %dma_start3A_54 = tpu.memref_slice %arg8[%add3A_24, %dma_start3A] : memref<10240x128xf32, #tpu.memory_space<vmem_shared>> -> memref<128x128xf32, #tpu.memory_space<vmem_shared>>
      %dma_start3A_55 = arith.constant 0 : i32
      %dma_start3A_56 = tpu.memref_slice %arg8[%add3A_24, %dma_start3A_55] : memref<10240x128xf32, #tpu.memory_space<vmem_shared>> -> memref<128x128xf32, #tpu.memory_space<vmem_shared>>
      tpu.enqueue_dma source(%arg7 : memref<128x128xf32, #tpu.memory_space<vmem>>) target(%dma_start3A_56 : memref<128x128xf32, #tpu.memory_space<vmem_shared>>) target_semaphore(%run_scoped3A : memref<!tpu.dma_semaphore, #tpu.memory_space<semaphore_mem>>)
      %dma_wait3A = arith.constant 0 : i32
      %dma_wait3A_57 = tpu.memref_slice %arg8[%add3A_24, %dma_wait3A] : memref<10240x128xf32, #tpu.memory_space<vmem_shared>> -> memref<128x128xf32, #tpu.memory_space<vmem_shared>>
      %dma_wait3A_58 = arith.constant 0 : i32
      %dma_wait3A_59 = tpu.memref_slice %arg8[%add3A_24, %dma_wait3A_58] : memref<10240x128xf32, #tpu.memory_space<vmem_shared>> -> memref<128x128xf32, #tpu.memory_space<vmem_shared>>
      tpu.wait_dma2 semaphore(%run_scoped3A : memref<!tpu.dma_semaphore, #tpu.memory_space<semaphore_mem>>) src(%arg7 : memref<128x128xf32, #tpu.memory_space<vmem>>) dst(%dma_wait3A_59 : memref<128x128xf32, #tpu.memory_space<vmem_shared>>)
      tpu.yield
    }) : () -> ()
    %mul3A_25 = arith.constant 640 : i32
    %mul3A_26 = arith.muli %arg1, %mul3A_25 : i32
    %add3A_27 = arith.constant 256 : i32
    %add3A_28 = arith.addi %mul3A_26, %add3A_27 : i32
    "tpu.region"() ({
      %run_scoped3A = tpu.sem_alloc : memref<!tpu.dma_semaphore, #tpu.memory_space<semaphore_mem>>
      %dma_start3A = arith.constant 0 : i32
      %dma_start3A_54 = tpu.memref_slice %arg8[%add3A_28, %dma_start3A] : memref<10240x128xf32, #tpu.memory_space<vmem_shared>> -> memref<128x128xf32, #tpu.memory_space<vmem_shared>>
      %dma_start3A_55 = arith.constant 0 : i32
      %dma_start3A_56 = tpu.memref_slice %arg8[%add3A_28, %dma_start3A_55] : memref<10240x128xf32, #tpu.memory_space<vmem_shared>> -> memref<128x128xf32, #tpu.memory_space<vmem_shared>>
      tpu.enqueue_dma source(%arg7 : memref<128x128xf32, #tpu.memory_space<vmem>>) target(%dma_start3A_56 : memref<128x128xf32, #tpu.memory_space<vmem_shared>>) target_semaphore(%run_scoped3A : memref<!tpu.dma_semaphore, #tpu.memory_space<semaphore_mem>>)
      %dma_wait3A = arith.constant 0 : i32
      %dma_wait3A_57 = tpu.memref_slice %arg8[%add3A_28, %dma_wait3A] : memref<10240x128xf32, #tpu.memory_space<vmem_shared>> -> memref<128x128xf32, #tpu.memory_space<vmem_shared>>
      %dma_wait3A_58 = arith.constant 0 : i32
      %dma_wait3A_59 = tpu.memref_slice %arg8[%add3A_28, %dma_wait3A_58] : memref<10240x128xf32, #tpu.memory_space<vmem_shared>> -> memref<128x128xf32, #tpu.memory_space<vmem_shared>>
      tpu.wait_dma2 semaphore(%run_scoped3A : memref<!tpu.dma_semaphore, #tpu.memory_space<semaphore_mem>>) src(%arg7 : memref<128x128xf32, #tpu.memory_space<vmem>>) dst(%dma_wait3A_59 : memref<128x128xf32, #tpu.memory_space<vmem_shared>>)
      tpu.yield
    }) : () -> ()
    %mul3A_29 = arith.constant 640 : i32
    %mul3A_30 = arith.muli %arg1, %mul3A_29 : i32
    %add3A_31 = arith.constant 384 : i32
    %add3A_32 = arith.addi %mul3A_30, %add3A_31 : i32
    "tpu.region"() ({
      %run_scoped3A = tpu.sem_alloc : memref<!tpu.dma_semaphore, #tpu.memory_space<semaphore_mem>>
      %dma_start3A = arith.constant 0 : i32
      %dma_start3A_54 = tpu.memref_slice %arg8[%add3A_32, %dma_start3A] : memref<10240x128xf32, #tpu.memory_space<vmem_shared>> -> memref<128x128xf32, #tpu.memory_space<vmem_shared>>
      %dma_start3A_55 = arith.constant 0 : i32
      %dma_start3A_56 = tpu.memref_slice %arg8[%add3A_32, %dma_start3A_55] : memref<10240x128xf32, #tpu.memory_space<vmem_shared>> -> memref<128x128xf32, #tpu.memory_space<vmem_shared>>
      tpu.enqueue_dma source(%arg7 : memref<128x128xf32, #tpu.memory_space<vmem>>) target(%dma_start3A_56 : memref<128x128xf32, #tpu.memory_space<vmem_shared>>) target_semaphore(%run_scoped3A : memref<!tpu.dma_semaphore, #tpu.memory_space<semaphore_mem>>)
      %dma_wait3A = arith.constant 0 : i32
      %dma_wait3A_57 = tpu.memref_slice %arg8[%add3A_32, %dma_wait3A] : memref<10240x128xf32, #tpu.memory_space<vmem_shared>> -> memref<128x128xf32, #tpu.memory_space<vmem_shared>>
      %dma_wait3A_58 = arith.constant 0 : i32
      %dma_wait3A_59 = tpu.memref_slice %arg8[%add3A_32, %dma_wait3A_58] : memref<10240x128xf32, #tpu.memory_space<vmem_shared>> -> memref<128x128xf32, #tpu.memory_space<vmem_shared>>
      tpu.wait_dma2 semaphore(%run_scoped3A : memref<!tpu.dma_semaphore, #tpu.memory_space<semaphore_mem>>) src(%arg7 : memref<128x128xf32, #tpu.memory_space<vmem>>) dst(%dma_wait3A_59 : memref<128x128xf32, #tpu.memory_space<vmem_shared>>)
      tpu.yield
    }) : () -> ()
    %mul3A_33 = arith.constant 640 : i32
    %mul3A_34 = arith.muli %arg1, %mul3A_33 : i32
    %add3A_35 = arith.constant 512 : i32
    %add3A_36 = arith.addi %mul3A_34, %add3A_35 : i32
    "tpu.region"() ({
      %run_scoped3A = tpu.sem_alloc : memref<!tpu.dma_semaphore, #tpu.memory_space<semaphore_mem>>
      %dma_start3A = arith.constant 0 : i32
      %dma_start3A_54 = tpu.memref_slice %arg8[%add3A_36, %dma_start3A] : memref<10240x128xf32, #tpu.memory_space<vmem_shared>> -> memref<128x128xf32, #tpu.memory_space<vmem_shared>>
      %dma_start3A_55 = arith.constant 0 : i32
      %dma_start3A_56 = tpu.memref_slice %arg8[%add3A_36, %dma_start3A_55] : memref<10240x128xf32, #tpu.memory_space<vmem_shared>> -> memref<128x128xf32, #tpu.memory_space<vmem_shared>>
      tpu.enqueue_dma source(%arg7 : memref<128x128xf32, #tpu.memory_space<vmem>>) target(%dma_start3A_56 : memref<128x128xf32, #tpu.memory_space<vmem_shared>>) target_semaphore(%run_scoped3A : memref<!tpu.dma_semaphore, #tpu.memory_space<semaphore_mem>>)
      %dma_wait3A = arith.constant 0 : i32
      %dma_wait3A_57 = tpu.memref_slice %arg8[%add3A_36, %dma_wait3A] : memref<10240x128xf32, #tpu.memory_space<vmem_shared>> -> memref<128x128xf32, #tpu.memory_space<vmem_shared>>
      %dma_wait3A_58 = arith.constant 0 : i32
      %dma_wait3A_59 = tpu.memref_slice %arg8[%add3A_36, %dma_wait3A_58] : memref<10240x128xf32, #tpu.memory_space<vmem_shared>> -> memref<128x128xf32, #tpu.memory_space<vmem_shared>>
      tpu.wait_dma2 semaphore(%run_scoped3A : memref<!tpu.dma_semaphore, #tpu.memory_space<semaphore_mem>>) src(%arg7 : memref<128x128xf32, #tpu.memory_space<vmem>>) dst(%dma_wait3A_59 : memref<128x128xf32, #tpu.memory_space<vmem_shared>>)
      tpu.yield
    }) : () -> ()
    %barrier3A = arith.constant 0 : index
    tpu.barrier barrier_id(%barrier3A)
    %mul3A_37 = arith.constant 10112 : i32
    %mul3A_38 = arith.muli %add3A, %mul3A_37 : i32
    %scan3A_39 = arith.constant 0 : i32
    %scan3A_40 = arith.constant 0 : i32
    %scan3A_41 = arith.constant 79 : i32
    %scan3A_42 = arith.addi %scan3A_40, %scan3A_41 : i32
    %scan3A_43 = arith.constant 1 : i32
    %scan3A_44 = scf.for %scan3A_54 = %scan3A_40 to %scan3A_42 step %scan3A_43 iter_args(%scan3A_55 = %scan3A_39) -> (i32)  : i32 {
      %mul3A_56 = arith.constant 128 : i32
      %mul3A_57 = arith.muli %scan3A_54, %mul3A_56 : i32
      %add3A_58 = arith.addi %mul3A_38, %mul3A_57 : i32
      "tpu.region"() ({
        %run_scoped3A = tpu.sem_alloc : memref<!tpu.dma_semaphore, #tpu.memory_space<semaphore_mem>>
        %dma_start3A = tpu.memref_slice %arg2[%add3A_58] : memref<323584xi32, #tpu.memory_space<hbm>> -> memref<128xi32, #tpu.memory_space<hbm>>
        %dma_start3A_60 = tpu.memref_slice %arg2[%add3A_58] : memref<323584xi32, #tpu.memory_space<hbm>> -> memref<128xi32, #tpu.memory_space<hbm>>
        tpu.enqueue_dma source(%dma_start3A_60 : memref<128xi32, #tpu.memory_space<hbm>>) target(%arg5 : memref<128xi32, #tpu.memory_space<vmem>>) target_semaphore(%run_scoped3A : memref<!tpu.dma_semaphore, #tpu.memory_space<semaphore_mem>>)
        %dma_wait3A = tpu.memref_slice %arg2[%add3A_58] : memref<323584xi32, #tpu.memory_space<hbm>> -> memref<128xi32, #tpu.memory_space<hbm>>
        %dma_wait3A_61 = tpu.memref_slice %arg2[%add3A_58] : memref<323584xi32, #tpu.memory_space<hbm>> -> memref<128xi32, #tpu.memory_space<hbm>>
        tpu.wait_dma2 semaphore(%run_scoped3A : memref<!tpu.dma_semaphore, #tpu.memory_space<semaphore_mem>>) src(%dma_wait3A_61 : memref<128xi32, #tpu.memory_space<hbm>>) dst(%arg5 : memref<128xi32, #tpu.memory_space<vmem>>)
        tpu.yield
      }) : () -> ()
      "tpu.region"() ({
        %run_scoped3A = tpu.sem_alloc : memref<!tpu.dma_semaphore, #tpu.memory_space<semaphore_mem>>
        %dma_start3A = arith.constant 0 : i32
        %dma_start3A_60 = arith.constant 0 : i32
        %dma_start3A_61 = tpu.memref_slice %arg8[%dma_start3A, %dma_start3A_60] : memref<10240x128xf32, #tpu.memory_space<vmem_shared>> -> memref<10240x128xf32, #tpu.memory_space<vmem_shared>>
        tpu.enqueue_indirect_dma source(%arg6 : memref<128x128xf32, #tpu.memory_space<vmem>>) target(%dma_start3A_61 : memref<10240x128xf32, #tpu.memory_space<vmem_shared>>) offsets(%arg5 : memref<128xi32, #tpu.memory_space<vmem>>) semaphore(%run_scoped3A : memref<!tpu.dma_semaphore, #tpu.memory_space<semaphore_mem>>) {add = true}
        %dma_wait3A = arith.constant 0 : i32
        %dma_wait3A_62 = arith.constant 0 : i32
        %dma_wait3A_63 = tpu.memref_slice %arg8[%dma_wait3A, %dma_wait3A_62] : memref<10240x128xf32, #tpu.memory_space<vmem_shared>> -> memref<10240x128xf32, #tpu.memory_space<vmem_shared>>
        tpu.wait_indirect_dma semaphore(%run_scoped3A : memref<!tpu.dma_semaphore, #tpu.memory_space<semaphore_mem>>) src(%arg6 : memref<128x128xf32, #tpu.memory_space<vmem>>) dst(%dma_wait3A_63 : memref<10240x128xf32, #tpu.memory_space<vmem_shared>>)
        tpu.yield
      }) : () -> ()
      %scan3A_59 = arith.constant 0 : i32
      scf.yield %scan3A_59 : i32
    }
    %scan3A_45 = arith.constant 79 : i32
    %barrier3A_46 = arith.constant 0 : index
    tpu.barrier barrier_id(%barrier3A_46)
    %eq3A = arith.constant 0 : i32
    %eq3A_47 = arith.cmpi eq, %arg0, %eq3A : i32
    %convert_element_type3A = arith.extui %eq3A_47 : i1 to i32
    %cond3A = arith.constant 0 : i32
    %cond3A_48 = arith.cmpi ne, %convert_element_type3A, %cond3A : i32
    scf.if %cond3A_48 {
      %mul3A_54 = arith.constant 640 : i32
      %mul3A_55 = arith.muli %arg1, %mul3A_54 : i32
      %mul3A_56 = arith.constant 640 : i32
      %mul3A_57 = arith.muli %arg1, %mul3A_56 : i32
      "tpu.region"() ({
        %run_scoped3A = tpu.sem_alloc : memref<!tpu.dma_semaphore, #tpu.memory_space<semaphore_mem>>
        %dma_start3A = arith.constant 0 : i32
        %dma_start3A_58 = tpu.memref_slice %arg3[%mul3A_57, %dma_start3A] : memref<10240x128xf32, #tpu.memory_space<hbm>> -> memref<640x128xf32, #tpu.memory_space<hbm>>
        %dma_start3A_59 = arith.constant 0 : i32
        %dma_start3A_60 = tpu.memref_slice %arg8[%mul3A_55, %dma_start3A_59] : memref<10240x128xf32, #tpu.memory_space<vmem_shared>> -> memref<640x128xf32, #tpu.memory_space<vmem_shared>>
        tpu.enqueue_dma source(%dma_start3A_60 : memref<640x128xf32, #tpu.memory_space<vmem_shared>>) target(%dma_start3A_58 : memref<640x128xf32, #tpu.memory_space<hbm>>) target_semaphore(%run_scoped3A : memref<!tpu.dma_semaphore, #tpu.memory_space<semaphore_mem>>)
        %dma_wait3A = arith.constant 0 : i32
        %dma_wait3A_61 = tpu.memref_slice %arg3[%mul3A_57, %dma_wait3A] : memref<10240x128xf32, #tpu.memory_space<hbm>> -> memref<640x128xf32, #tpu.memory_space<hbm>>
        %dma_wait3A_62 = arith.constant 0 : i32
        %dma_wait3A_63 = tpu.memref_slice %arg8[%mul3A_55, %dma_wait3A_62] : memref<10240x128xf32, #tpu.memory_space<vmem_shared>> -> memref<640x128xf32, #tpu.memory_space<vmem_shared>>
        tpu.wait_dma2 semaphore(%run_scoped3A : memref<!tpu.dma_semaphore, #tpu.memory_space<semaphore_mem>>) src(%dma_wait3A_63 : memref<640x128xf32, #tpu.memory_space<vmem_shared>>) dst(%dma_wait3A_61 : memref<640x128xf32, #tpu.memory_space<hbm>>)
        tpu.yield
      }) : () -> ()
    } else {
    }
    %eq3A_49 = arith.constant 1 : i32
    %eq3A_50 = arith.cmpi eq, %arg0, %eq3A_49 : i32
    %convert_element_type3A_51 = arith.extui %eq3A_50 : i1 to i32
    %cond3A_52 = arith.constant 0 : i32
    %cond3A_53 = arith.cmpi ne, %convert_element_type3A_51, %cond3A_52 : i32
    scf.if %cond3A_53 {
      %mul3A_54 = arith.constant 640 : i32
      %mul3A_55 = arith.muli %arg1, %mul3A_54 : i32
      %mul3A_56 = arith.constant 640 : i32
      %mul3A_57 = arith.muli %arg1, %mul3A_56 : i32
      "tpu.region"() ({
        %run_scoped3A = tpu.sem_alloc : memref<!tpu.dma_semaphore, #tpu.memory_space<semaphore_mem>>
        %dma_start3A = arith.constant 0 : i32
        %dma_start3A_58 = tpu.memref_slice %arg4[%mul3A_57, %dma_start3A] : memref<10240x128xf32, #tpu.memory_space<hbm>> -> memref<640x128xf32, #tpu.memory_space<hbm>>
        %dma_start3A_59 = arith.constant 0 : i32
        %dma_start3A_60 = tpu.memref_slice %arg8[%mul3A_55, %dma_start3A_59] : memref<10240x128xf32, #tpu.memory_space<vmem_shared>> -> memref<640x128xf32, #tpu.memory_space<vmem_shared>>
        tpu.enqueue_dma source(%dma_start3A_60 : memref<640x128xf32, #tpu.memory_space<vmem_shared>>) target(%dma_start3A_58 : memref<640x128xf32, #tpu.memory_space<hbm>>) target_semaphore(%run_scoped3A : memref<!tpu.dma_semaphore, #tpu.memory_space<semaphore_mem>>)
        %dma_wait3A = arith.constant 0 : i32
        %dma_wait3A_61 = tpu.memref_slice %arg4[%mul3A_57, %dma_wait3A] : memref<10240x128xf32, #tpu.memory_space<hbm>> -> memref<640x128xf32, #tpu.memory_space<hbm>>
        %dma_wait3A_62 = arith.constant 0 : i32
        %dma_wait3A_63 = tpu.memref_slice %arg8[%mul3A_55, %dma_wait3A_62] : memref<10240x128xf32, #tpu.memory_space<vmem_shared>> -> memref<640x128xf32, #tpu.memory_space<vmem_shared>>
        tpu.wait_dma2 semaphore(%run_scoped3A : memref<!tpu.dma_semaphore, #tpu.memory_space<semaphore_mem>>) src(%dma_wait3A_63 : memref<640x128xf32, #tpu.memory_space<vmem_shared>>) dst(%dma_wait3A_61 : memref<640x128xf32, #tpu.memory_space<hbm>>)
        tpu.yield
      }) : () -> ()
    } else {
    }
    return
  }
}

#map = affine_map<(d0, d1) -> (0, 0)>
#map1 = affine_map<(d0, d1) -> (0)>
module attributes {stable_mosaic.version = 14 : i64} {
  func.func @_scat_body(%arg0: i32, %arg1: i32, %arg2: memref<10240x128xf32, #tpu.memory_space<hbm>>, %arg3: memref<323584xi32, #tpu.memory_space<hbm>>, %arg4: memref<323584xi32, #tpu.memory_space<hbm>>, %arg5: memref<10240x128xf32, #tpu.memory_space<hbm>>, %arg6: memref<10240x128xf32, #tpu.memory_space<hbm>>, %arg7: memref<128xi32, #tpu.memory_space<vmem>>, %arg8: memref<128xi32, #tpu.memory_space<vmem>>, %arg9: memref<128x128xf32, #tpu.memory_space<vmem>>, %arg10: memref<128x128xf32, #tpu.memory_space<vmem>>, %arg11: memref<10240x128xf32, #tpu.memory_space<vmem_shared>>, %arg12: memref<!tpu.dma_semaphore, #tpu.memory_space<semaphore_mem>>) attributes {dimension_semantics = [#tpu.dimension_semantics<core_parallel>, #tpu.dimension_semantics<subcore_parallel>], iteration_bounds = array<i64: 2, 16>, scalar_prefetch = 0 : i64, scratch_operands = 6 : i64, tpu.core_type = #tpu.core_type<sc_vector_subcore>, window_params = [{transform_indices = #map}, {transform_indices = #map1}, {transform_indices = #map1}, {transform_indices = #map}, {transform_indices = #map}]} {
    %mul3A = arith.constant 2 : i32
    %mul3A_0 = arith.muli %arg1, %mul3A : i32
    %add3A = arith.addi %mul3A_0, %arg0 : i32
    %broadcast_in_dim3A = arith.constant 0.000000e+00 : f32
    %broadcast_in_dim3A_1 = vector.broadcast %broadcast_in_dim3A : f32 to vector<16xf32>
    %scan3A = arith.constant 0 : i32
    %scan3A_2 = arith.constant 0 : i32
    %scan3A_3 = arith.constant 1024 : i32
    %scan3A_4 = arith.addi %scan3A_2, %scan3A_3 : i32
    %scan3A_5 = arith.constant 1 : i32
    %scan3A_6 = scf.for %scan3A_45 = %scan3A_2 to %scan3A_4 step %scan3A_5 iter_args(%scan3A_46 = %scan3A) -> (i32)  : i32 {
      %jit3A = arith.constant 8 : i32
      %div3A = arith.divsi %scan3A_45, %jit3A : i32
      %sign3A = arith.constant 0 : i32
      %sign3A_47 = arith.cmpi sgt, %scan3A_45, %sign3A : i32
      %sign3A_48 = arith.extui %sign3A_47 : i1 to i32
      %sign3A_49 = arith.constant 0 : i32
      %sign3A_50 = arith.cmpi slt, %scan3A_45, %sign3A_49 : i32
      %sign3A_51 = arith.extui %sign3A_50 : i1 to i32
      %sign3A_52 = arith.subi %sign3A_48, %sign3A_51 : i32
      %sign3A_53 = arith.constant 0 : i32
      %sign3A_54 = arith.cmpi sgt, %jit3A, %sign3A_53 : i32
      %sign3A_55 = arith.extui %sign3A_54 : i1 to i32
      %sign3A_56 = arith.constant 0 : i32
      %sign3A_57 = arith.cmpi slt, %jit3A, %sign3A_56 : i32
      %sign3A_58 = arith.extui %sign3A_57 : i1 to i32
      %sign3A_59 = arith.subi %sign3A_55, %sign3A_58 : i32
      %ne3A = arith.cmpi ne, %sign3A_52, %sign3A_59 : i32
      %rem3A = arith.remsi %scan3A_45, %jit3A : i32
      %ne3A_60 = arith.constant 0 : i32
      %ne3A_61 = arith.cmpi ne, %rem3A, %ne3A_60 : i32
      %and3A = arith.andi %ne3A, %ne3A_61 : i1
      %sub3A = arith.constant 1 : i32
      %sub3A_62 = arith.subi %div3A, %sub3A : i32
      %select_n3A = arith.select %and3A, %sub3A_62, %div3A : i32
      %jit3A_63 = arith.constant 8 : i32
      %eq3A_64 = arith.constant 0 : i32
      %eq3A_65 = arith.cmpi eq, %jit3A_63, %eq3A_64 : i32
      %jit3A_66 = arith.constant 1 : i32
      %select_n3A_67 = arith.select %eq3A_65, %jit3A_66, %jit3A_63 : i32
      %rem3A_68 = arith.remsi %scan3A_45, %select_n3A_67 : i32
      %ne3A_69 = arith.constant 0 : i32
      %ne3A_70 = arith.cmpi ne, %rem3A_68, %ne3A_69 : i32
      %lt3A = arith.constant 0 : i32
      %lt3A_71 = arith.cmpi slt, %rem3A_68, %lt3A : i32
      %lt3A_72 = arith.constant 0 : i32
      %lt3A_73 = arith.cmpi slt, %select_n3A_67, %lt3A_72 : i32
      %ne3A_74 = arith.xori %lt3A_71, %lt3A_73 : i1
      %and3A_75 = arith.andi %ne3A_74, %ne3A_70 : i1
      %add3A_76 = arith.addi %rem3A_68, %select_n3A_67 : i32
      %select_n3A_77 = arith.select %and3A_75, %add3A_76, %rem3A_68 : i32
      %mul3A_78 = arith.constant 16 : i32
      %mul3A_79 = arith.muli %select_n3A_77, %mul3A_78 : i32
      %swap3A = arith.index_cast %select_n3A : i32 to index
      %swap3A_80 = arith.index_cast %mul3A_79 : i32 to index
      %swap3A_81 = tpu.vector_load %arg10[%swap3A, %swap3A_80] {strides = array<i32>} : memref<128x128xf32, #tpu.memory_space<vmem>>, vector<1x16xf32>,
      %swap3A_82 = vector.shape_cast %swap3A_81 : vector<1x16xf32> to vector<16xf32>
      %swap3A_83 = vector.shape_cast %broadcast_in_dim3A_1 : vector<16xf32> to vector<1x16xf32>
      tpu.vector_store %arg10[%swap3A, %swap3A_80], %swap3A_83 {strides = array<i32>} : memref<128x128xf32, #tpu.memory_space<vmem>>, vector<1x16xf32>,
      %scan3A_84 = arith.constant 0 : i32
      scf.yield %scan3A_84 : i32
    }
    %scan3A_7 = arith.constant 1024 : i32
    %mul3A_8 = arith.constant 640 : i32
    %mul3A_9 = arith.muli %arg1, %mul3A_8 : i32
    %add3A_10 = arith.constant 0 : i32
    %add3A_11 = arith.addi %mul3A_9, %add3A_10 : i32
    "tpu.region"() ({
      %run_scoped3A = tpu.sem_alloc : memref<!tpu.dma_semaphore, #tpu.memory_space<semaphore_mem>>
      %dma_start3A = arith.constant 0 : i32
      %dma_start3A_45 = tpu.memref_slice %arg11[%add3A_11, %dma_start3A] : memref<10240x128xf32, #tpu.memory_space<vmem_shared>> -> memref<128x128xf32, #tpu.memory_space<vmem_shared>>
      %dma_start3A_46 = arith.constant 0 : i32
      %dma_start3A_47 = tpu.memref_slice %arg11[%add3A_11, %dma_start3A_46] : memref<10240x128xf32, #tpu.memory_space<vmem_shared>> -> memref<128x128xf32, #tpu.memory_space<vmem_shared>>
      tpu.enqueue_dma source(%arg10 : memref<128x128xf32, #tpu.memory_space<vmem>>) target(%dma_start3A_47 : memref<128x128xf32, #tpu.memory_space<vmem_shared>>) target_semaphore(%run_scoped3A : memref<!tpu.dma_semaphore, #tpu.memory_space<semaphore_mem>>)
      %dma_wait3A = arith.constant 0 : i32
      %dma_wait3A_48 = tpu.memref_slice %arg11[%add3A_11, %dma_wait3A] : memref<10240x128xf32, #tpu.memory_space<vmem_shared>> -> memref<128x128xf32, #tpu.memory_space<vmem_shared>>
      %dma_wait3A_49 = arith.constant 0 : i32
      %dma_wait3A_50 = tpu.memref_slice %arg11[%add3A_11, %dma_wait3A_49] : memref<10240x128xf32, #tpu.memory_space<vmem_shared>> -> memref<128x128xf32, #tpu.memory_space<vmem_shared>>
      tpu.wait_dma2 semaphore(%run_scoped3A : memref<!tpu.dma_semaphore, #tpu.memory_space<semaphore_mem>>) src(%arg10 : memref<128x128xf32, #tpu.memory_space<vmem>>) dst(%dma_wait3A_50 : memref<128x128xf32, #tpu.memory_space<vmem_shared>>)
      tpu.yield
    }) : () -> ()
    %mul3A_12 = arith.constant 640 : i32
    %mul3A_13 = arith.muli %arg1, %mul3A_12 : i32
    %add3A_14 = arith.constant 128 : i32
    %add3A_15 = arith.addi %mul3A_13, %add3A_14 : i32
    "tpu.region"() ({
      %run_scoped3A = tpu.sem_alloc : memref<!tpu.dma_semaphore, #tpu.memory_space<semaphore_mem>>
      %dma_start3A = arith.constant 0 : i32
      %dma_start3A_45 = tpu.memref_slice %arg11[%add3A_15, %dma_start3A] : memref<10240x128xf32, #tpu.memory_space<vmem_shared>> -> memref<128x128xf32, #tpu.memory_space<vmem_shared>>
      %dma_start3A_46 = arith.constant 0 : i32
      %dma_start3A_47 = tpu.memref_slice %arg11[%add3A_15, %dma_start3A_46] : memref<10240x128xf32, #tpu.memory_space<vmem_shared>> -> memref<128x128xf32, #tpu.memory_space<vmem_shared>>
      tpu.enqueue_dma source(%arg10 : memref<128x128xf32, #tpu.memory_space<vmem>>) target(%dma_start3A_47 : memref<128x128xf32, #tpu.memory_space<vmem_shared>>) target_semaphore(%run_scoped3A : memref<!tpu.dma_semaphore, #tpu.memory_space<semaphore_mem>>)
      %dma_wait3A = arith.constant 0 : i32
      %dma_wait3A_48 = tpu.memref_slice %arg11[%add3A_15, %dma_wait3A] : memref<10240x128xf32, #tpu.memory_space<vmem_shared>> -> memref<128x128xf32, #tpu.memory_space<vmem_shared>>
      %dma_wait3A_49 = arith.constant 0 : i32
      %dma_wait3A_50 = tpu.memref_slice %arg11[%add3A_15, %dma_wait3A_49] : memref<10240x128xf32, #tpu.memory_space<vmem_shared>> -> memref<128x128xf32, #tpu.memory_space<vmem_shared>>
      tpu.wait_dma2 semaphore(%run_scoped3A : memref<!tpu.dma_semaphore, #tpu.memory_space<semaphore_mem>>) src(%arg10 : memref<128x128xf32, #tpu.memory_space<vmem>>) dst(%dma_wait3A_50 : memref<128x128xf32, #tpu.memory_space<vmem_shared>>)
      tpu.yield
    }) : () -> ()
    %mul3A_16 = arith.constant 640 : i32
    %mul3A_17 = arith.muli %arg1, %mul3A_16 : i32
    %add3A_18 = arith.constant 256 : i32
    %add3A_19 = arith.addi %mul3A_17, %add3A_18 : i32
    "tpu.region"() ({
      %run_scoped3A = tpu.sem_alloc : memref<!tpu.dma_semaphore, #tpu.memory_space<semaphore_mem>>
      %dma_start3A = arith.constant 0 : i32
      %dma_start3A_45 = tpu.memref_slice %arg11[%add3A_19, %dma_start3A] : memref<10240x128xf32, #tpu.memory_space<vmem_shared>> -> memref<128x128xf32, #tpu.memory_space<vmem_shared>>
      %dma_start3A_46 = arith.constant 0 : i32
      %dma_start3A_47 = tpu.memref_slice %arg11[%add3A_19, %dma_start3A_46] : memref<10240x128xf32, #tpu.memory_space<vmem_shared>> -> memref<128x128xf32, #tpu.memory_space<vmem_shared>>
      tpu.enqueue_dma source(%arg10 : memref<128x128xf32, #tpu.memory_space<vmem>>) target(%dma_start3A_47 : memref<128x128xf32, #tpu.memory_space<vmem_shared>>) target_semaphore(%run_scoped3A : memref<!tpu.dma_semaphore, #tpu.memory_space<semaphore_mem>>)
      %dma_wait3A = arith.constant 0 : i32
      %dma_wait3A_48 = tpu.memref_slice %arg11[%add3A_19, %dma_wait3A] : memref<10240x128xf32, #tpu.memory_space<vmem_shared>> -> memref<128x128xf32, #tpu.memory_space<vmem_shared>>
      %dma_wait3A_49 = arith.constant 0 : i32
      %dma_wait3A_50 = tpu.memref_slice %arg11[%add3A_19, %dma_wait3A_49] : memref<10240x128xf32, #tpu.memory_space<vmem_shared>> -> memref<128x128xf32, #tpu.memory_space<vmem_shared>>
      tpu.wait_dma2 semaphore(%run_scoped3A : memref<!tpu.dma_semaphore, #tpu.memory_space<semaphore_mem>>) src(%arg10 : memref<128x128xf32, #tpu.memory_space<vmem>>) dst(%dma_wait3A_50 : memref<128x128xf32, #tpu.memory_space<vmem_shared>>)
      tpu.yield
    }) : () -> ()
    %mul3A_20 = arith.constant 640 : i32
    %mul3A_21 = arith.muli %arg1, %mul3A_20 : i32
    %add3A_22 = arith.constant 384 : i32
    %add3A_23 = arith.addi %mul3A_21, %add3A_22 : i32
    "tpu.region"() ({
      %run_scoped3A = tpu.sem_alloc : memref<!tpu.dma_semaphore, #tpu.memory_space<semaphore_mem>>
      %dma_start3A = arith.constant 0 : i32
      %dma_start3A_45 = tpu.memref_slice %arg11[%add3A_23, %dma_start3A] : memref<10240x128xf32, #tpu.memory_space<vmem_shared>> -> memref<128x128xf32, #tpu.memory_space<vmem_shared>>
      %dma_start3A_46 = arith.constant 0 : i32
      %dma_start3A_47 = tpu.memref_slice %arg11[%add3A_23, %dma_start3A_46] : memref<10240x128xf32, #tpu.memory_space<vmem_shared>> -> memref<128x128xf32, #tpu.memory_space<vmem_shared>>
      tpu.enqueue_dma source(%arg10 : memref<128x128xf32, #tpu.memory_space<vmem>>) target(%dma_start3A_47 : memref<128x128xf32, #tpu.memory_space<vmem_shared>>) target_semaphore(%run_scoped3A : memref<!tpu.dma_semaphore, #tpu.memory_space<semaphore_mem>>)
      %dma_wait3A = arith.constant 0 : i32
      %dma_wait3A_48 = tpu.memref_slice %arg11[%add3A_23, %dma_wait3A] : memref<10240x128xf32, #tpu.memory_space<vmem_shared>> -> memref<128x128xf32, #tpu.memory_space<vmem_shared>>
      %dma_wait3A_49 = arith.constant 0 : i32
      %dma_wait3A_50 = tpu.memref_slice %arg11[%add3A_23, %dma_wait3A_49] : memref<10240x128xf32, #tpu.memory_space<vmem_shared>> -> memref<128x128xf32, #tpu.memory_space<vmem_shared>>
      tpu.wait_dma2 semaphore(%run_scoped3A : memref<!tpu.dma_semaphore, #tpu.memory_space<semaphore_mem>>) src(%arg10 : memref<128x128xf32, #tpu.memory_space<vmem>>) dst(%dma_wait3A_50 : memref<128x128xf32, #tpu.memory_space<vmem_shared>>)
      tpu.yield
    }) : () -> ()
    %mul3A_24 = arith.constant 640 : i32
    %mul3A_25 = arith.muli %arg1, %mul3A_24 : i32
    %add3A_26 = arith.constant 512 : i32
    %add3A_27 = arith.addi %mul3A_25, %add3A_26 : i32
    "tpu.region"() ({
      %run_scoped3A = tpu.sem_alloc : memref<!tpu.dma_semaphore, #tpu.memory_space<semaphore_mem>>
      %dma_start3A = arith.constant 0 : i32
      %dma_start3A_45 = tpu.memref_slice %arg11[%add3A_27, %dma_start3A] : memref<10240x128xf32, #tpu.memory_space<vmem_shared>> -> memref<128x128xf32, #tpu.memory_space<vmem_shared>>
      %dma_start3A_46 = arith.constant 0 : i32
      %dma_start3A_47 = tpu.memref_slice %arg11[%add3A_27, %dma_start3A_46] : memref<10240x128xf32, #tpu.memory_space<vmem_shared>> -> memref<128x128xf32, #tpu.memory_space<vmem_shared>>
      tpu.enqueue_dma source(%arg10 : memref<128x128xf32, #tpu.memory_space<vmem>>) target(%dma_start3A_47 : memref<128x128xf32, #tpu.memory_space<vmem_shared>>) target_semaphore(%run_scoped3A : memref<!tpu.dma_semaphore, #tpu.memory_space<semaphore_mem>>)
      %dma_wait3A = arith.constant 0 : i32
      %dma_wait3A_48 = tpu.memref_slice %arg11[%add3A_27, %dma_wait3A] : memref<10240x128xf32, #tpu.memory_space<vmem_shared>> -> memref<128x128xf32, #tpu.memory_space<vmem_shared>>
      %dma_wait3A_49 = arith.constant 0 : i32
      %dma_wait3A_50 = tpu.memref_slice %arg11[%add3A_27, %dma_wait3A_49] : memref<10240x128xf32, #tpu.memory_space<vmem_shared>> -> memref<128x128xf32, #tpu.memory_space<vmem_shared>>
      tpu.wait_dma2 semaphore(%run_scoped3A : memref<!tpu.dma_semaphore, #tpu.memory_space<semaphore_mem>>) src(%arg10 : memref<128x128xf32, #tpu.memory_space<vmem>>) dst(%dma_wait3A_50 : memref<128x128xf32, #tpu.memory_space<vmem_shared>>)
      tpu.yield
    }) : () -> ()
    %barrier3A = arith.constant 0 : index
    tpu.barrier barrier_id(%barrier3A)
    %mul3A_28 = arith.constant 10112 : i32
    %mul3A_29 = arith.muli %add3A, %mul3A_28 : i32
    %scan3A_30 = arith.constant 0 : i32
    %scan3A_31 = arith.constant 0 : i32
    %scan3A_32 = arith.constant 79 : i32
    %scan3A_33 = arith.addi %scan3A_31, %scan3A_32 : i32
    %scan3A_34 = arith.constant 1 : i32
    %scan3A_35 = scf.for %scan3A_45 = %scan3A_31 to %scan3A_33 step %scan3A_34 iter_args(%scan3A_46 = %scan3A_30) -> (i32)  : i32 {
      %mul3A_47 = arith.constant 128 : i32
      %mul3A_48 = arith.muli %scan3A_45, %mul3A_47 : i32
      %add3A_49 = arith.addi %mul3A_29, %mul3A_48 : i32
      "tpu.region"() ({
        %run_scoped3A = tpu.sem_alloc : memref<!tpu.dma_semaphore, #tpu.memory_space<semaphore_mem>>
        %dma_start3A_55 = tpu.memref_slice %arg3[%add3A_49] : memref<323584xi32, #tpu.memory_space<hbm>> -> memref<128xi32, #tpu.memory_space<hbm>>
        %dma_start3A_56 = tpu.memref_slice %arg3[%add3A_49] : memref<323584xi32, #tpu.memory_space<hbm>> -> memref<128xi32, #tpu.memory_space<hbm>>
        tpu.enqueue_dma source(%dma_start3A_56 : memref<128xi32, #tpu.memory_space<hbm>>) target(%arg7 : memref<128xi32, #tpu.memory_space<vmem>>) target_semaphore(%run_scoped3A : memref<!tpu.dma_semaphore, #tpu.memory_space<semaphore_mem>>)
        %dma_wait3A_57 = tpu.memref_slice %arg3[%add3A_49] : memref<323584xi32, #tpu.memory_space<hbm>> -> memref<128xi32, #tpu.memory_space<hbm>>
        %dma_wait3A_58 = tpu.memref_slice %arg3[%add3A_49] : memref<323584xi32, #tpu.memory_space<hbm>> -> memref<128xi32, #tpu.memory_space<hbm>>
        tpu.wait_dma2 semaphore(%run_scoped3A : memref<!tpu.dma_semaphore, #tpu.memory_space<semaphore_mem>>) src(%dma_wait3A_58 : memref<128xi32, #tpu.memory_space<hbm>>) dst(%arg7 : memref<128xi32, #tpu.memory_space<vmem>>)
        tpu.yield
      }) : () -> ()
      "tpu.region"() ({
        %run_scoped3A = tpu.sem_alloc : memref<!tpu.dma_semaphore, #tpu.memory_space<semaphore_mem>>
        %dma_start3A_55 = tpu.memref_slice %arg4[%add3A_49] : memref<323584xi32, #tpu.memory_space<hbm>> -> memref<128xi32, #tpu.memory_space<hbm>>
        %dma_start3A_56 = tpu.memref_slice %arg4[%add3A_49] : memref<323584xi32, #tpu.memory_space<hbm>> -> memref<128xi32, #tpu.memory_space<hbm>>
        tpu.enqueue_dma source(%dma_start3A_56 : memref<128xi32, #tpu.memory_space<hbm>>) target(%arg8 : memref<128xi32, #tpu.memory_space<vmem>>) target_semaphore(%run_scoped3A : memref<!tpu.dma_semaphore, #tpu.memory_space<semaphore_mem>>)
        %dma_wait3A_57 = tpu.memref_slice %arg4[%add3A_49] : memref<323584xi32, #tpu.memory_space<hbm>> -> memref<128xi32, #tpu.memory_space<hbm>>
        %dma_wait3A_58 = tpu.memref_slice %arg4[%add3A_49] : memref<323584xi32, #tpu.memory_space<hbm>> -> memref<128xi32, #tpu.memory_space<hbm>>
        tpu.wait_dma2 semaphore(%run_scoped3A : memref<!tpu.dma_semaphore, #tpu.memory_space<semaphore_mem>>) src(%dma_wait3A_58 : memref<128xi32, #tpu.memory_space<hbm>>) dst(%arg8 : memref<128xi32, #tpu.memory_space<vmem>>)
        tpu.yield
      }) : () -> ()
      %dma_start3A = arith.constant 0 : i32
      %dma_start3A_50 = arith.constant 0 : i32
      %dma_start3A_51 = tpu.memref_slice %arg2[%dma_start3A, %dma_start3A_50] : memref<10240x128xf32, #tpu.memory_space<hbm>> -> memref<10240x128xf32, #tpu.memory_space<hbm>>
      tpu.enqueue_indirect_dma source(%dma_start3A_51 : memref<10240x128xf32, #tpu.memory_space<hbm>>) target(%arg9 : memref<128x128xf32, #tpu.memory_space<vmem>>) offsets(%arg7 : memref<128xi32, #tpu.memory_space<vmem>>) semaphore(%arg12 : memref<!tpu.dma_semaphore, #tpu.memory_space<semaphore_mem>>)
      %dma_wait3A = arith.constant 0 : i32
      %dma_wait3A_52 = arith.constant 0 : i32
      %dma_wait3A_53 = tpu.memref_slice %arg2[%dma_wait3A, %dma_wait3A_52] : memref<10240x128xf32, #tpu.memory_space<hbm>> -> memref<10240x128xf32, #tpu.memory_space<hbm>>
      tpu.wait_indirect_dma semaphore(%arg12 : memref<!tpu.dma_semaphore, #tpu.memory_space<semaphore_mem>>) src(%dma_wait3A_53 : memref<10240x128xf32, #tpu.memory_space<hbm>>) dst(%arg9 : memref<128x128xf32, #tpu.memory_space<vmem>>)
      "tpu.region"() ({
        %run_scoped3A = tpu.sem_alloc : memref<!tpu.dma_semaphore, #tpu.memory_space<semaphore_mem>>
        %dma_start3A_55 = arith.constant 0 : i32
        %dma_start3A_56 = arith.constant 0 : i32
        %dma_start3A_57 = tpu.memref_slice %arg11[%dma_start3A_55, %dma_start3A_56] : memref<10240x128xf32, #tpu.memory_space<vmem_shared>> -> memref<10240x128xf32, #tpu.memory_space<vmem_shared>>
        tpu.enqueue_indirect_dma source(%arg9 : memref<128x128xf32, #tpu.memory_space<vmem>>) target(%dma_start3A_57 : memref<10240x128xf32, #tpu.memory_space<vmem_shared>>) offsets(%arg8 : memref<128xi32, #tpu.memory_space<vmem>>) semaphore(%run_scoped3A : memref<!tpu.dma_semaphore, #tpu.memory_space<semaphore_mem>>) {add = true}
        %dma_wait3A_58 = arith.constant 0 : i32
        %dma_wait3A_59 = arith.constant 0 : i32
        %dma_wait3A_60 = tpu.memref_slice %arg11[%dma_wait3A_58, %dma_wait3A_59] : memref<10240x128xf32, #tpu.memory_space<vmem_shared>> -> memref<10240x128xf32, #tpu.memory_space<vmem_shared>>
        tpu.wait_indirect_dma semaphore(%run_scoped3A : memref<!tpu.dma_semaphore, #tpu.memory_space<semaphore_mem>>) src(%arg9 : memref<128x128xf32, #tpu.memory_space<vmem>>) dst(%dma_wait3A_60 : memref<10240x128xf32, #tpu.memory_space<vmem_shared>>)
        tpu.yield
      }) : () -> ()
      %scan3A_54 = arith.constant 0 : i32
      scf.yield %scan3A_54 : i32
    }
    %scan3A_36 = arith.constant 79 : i32
    %barrier3A_37 = arith.constant 0 : index
    tpu.barrier barrier_id(%barrier3A_37)
    %eq3A = arith.constant 0 : i32
    %eq3A_38 = arith.cmpi eq, %arg0, %eq3A : i32
    %convert_element_type3A = arith.extui %eq3A_38 : i1 to i32
    %cond3A = arith.constant 0 : i32
    %cond3A_39 = arith.cmpi ne, %convert_element_type3A, %cond3A : i32
    scf.if %cond3A_39 {
      %mul3A_45 = arith.constant 640 : i32
      %mul3A_46 = arith.muli %arg1, %mul3A_45 : i32
      %mul3A_47 = arith.constant 640 : i32
      %mul3A_48 = arith.muli %arg1, %mul3A_47 : i32
      "tpu.region"() ({
        %run_scoped3A = tpu.sem_alloc : memref<!tpu.dma_semaphore, #tpu.memory_space<semaphore_mem>>
        %dma_start3A = arith.constant 0 : i32
        %dma_start3A_49 = tpu.memref_slice %arg5[%mul3A_48, %dma_start3A] : memref<10240x128xf32, #tpu.memory_space<hbm>> -> memref<640x128xf32, #tpu.memory_space<hbm>>
        %dma_start3A_50 = arith.constant 0 : i32
        %dma_start3A_51 = tpu.memref_slice %arg11[%mul3A_46, %dma_start3A_50] : memref<10240x128xf32, #tpu.memory_space<vmem_shared>> -> memref<640x128xf32, #tpu.memory_space<vmem_shared>>
        tpu.enqueue_dma source(%dma_start3A_51 : memref<640x128xf32, #tpu.memory_space<vmem_shared>>) target(%dma_start3A_49 : memref<640x128xf32, #tpu.memory_space<hbm>>) target_semaphore(%run_scoped3A : memref<!tpu.dma_semaphore, #tpu.memory_space<semaphore_mem>>)
        %dma_wait3A = arith.constant 0 : i32
        %dma_wait3A_52 = tpu.memref_slice %arg5[%mul3A_48, %dma_wait3A] : memref<10240x128xf32, #tpu.memory_space<hbm>> -> memref<640x128xf32, #tpu.memory_space<hbm>>
        %dma_wait3A_53 = arith.constant 0 : i32
        %dma_wait3A_54 = tpu.memref_slice %arg11[%mul3A_46, %dma_wait3A_53] : memref<10240x128xf32, #tpu.memory_space<vmem_shared>> -> memref<640x128xf32, #tpu.memory_space<vmem_shared>>
        tpu.wait_dma2 semaphore(%run_scoped3A : memref<!tpu.dma_semaphore, #tpu.memory_space<semaphore_mem>>) src(%dma_wait3A_54 : memref<640x128xf32, #tpu.memory_space<vmem_shared>>) dst(%dma_wait3A_52 : memref<640x128xf32, #tpu.memory_space<hbm>>)
        tpu.yield
      }) : () -> ()
    } else {
    }
    %eq3A_40 = arith.constant 1 : i32
    %eq3A_41 = arith.cmpi eq, %arg0, %eq3A_40 : i32
    %convert_element_type3A_42 = arith.extui %eq3A_41 : i1 to i32
    %cond3A_43 = arith.constant 0 : i32
    %cond3A_44 = arith.cmpi ne, %convert_element_type3A_42, %cond3A_43 : i32
    scf.if %cond3A_44 {
      %mul3A_45 = arith.constant 640 : i32
      %mul3A_46 = arith.muli %arg1, %mul3A_45 : i32
      %mul3A_47 = arith.constant 640 : i32
      %mul3A_48 = arith.muli %arg1, %mul3A_47 : i32
      "tpu.region"() ({
        %run_scoped3A = tpu.sem_alloc : memref<!tpu.dma_semaphore, #tpu.memory_space<semaphore_mem>>
        %dma_start3A = arith.constant 0 : i32
        %dma_start3A_49 = tpu.memref_slice %arg6[%mul3A_48, %dma_start3A] : memref<10240x128xf32, #tpu.memory_space<hbm>> -> memref<640x128xf32, #tpu.memory_space<hbm>>
        %dma_start3A_50 = arith.constant 0 : i32
        %dma_start3A_51 = tpu.memref_slice %arg11[%mul3A_46, %dma_start3A_50] : memref<10240x128xf32, #tpu.memory_space<vmem_shared>> -> memref<640x128xf32, #tpu.memory_space<vmem_shared>>
        tpu.enqueue_dma source(%dma_start3A_51 : memref<640x128xf32, #tpu.memory_space<vmem_shared>>) target(%dma_start3A_49 : memref<640x128xf32, #tpu.memory_space<hbm>>) target_semaphore(%run_scoped3A : memref<!tpu.dma_semaphore, #tpu.memory_space<semaphore_mem>>)
        %dma_wait3A = arith.constant 0 : i32
        %dma_wait3A_52 = tpu.memref_slice %arg6[%mul3A_48, %dma_wait3A] : memref<10240x128xf32, #tpu.memory_space<hbm>> -> memref<640x128xf32, #tpu.memory_space<hbm>>
        %dma_wait3A_53 = arith.constant 0 : i32
        %dma_wait3A_54 = tpu.memref_slice %arg11[%mul3A_46, %dma_wait3A_53] : memref<10240x128xf32, #tpu.memory_space<vmem_shared>> -> memref<640x128xf32, #tpu.memory_space<vmem_shared>>
        tpu.wait_dma2 semaphore(%run_scoped3A : memref<!tpu.dma_semaphore, #tpu.memory_space<semaphore_mem>>) src(%dma_wait3A_54 : memref<640x128xf32, #tpu.memory_space<vmem_shared>>) dst(%dma_wait3A_52 : memref<640x128xf32, #tpu.memory_space<hbm>>)
        tpu.yield
      }) : () -> ()
    } else {
    }
    return
  }
}

#map = affine_map<(d0, d1) -> (0, 0)>
#map1 = affine_map<(d0, d1) -> (0)>
module attributes {stable_mosaic.version = 14 : i64} {
  func.func @_scat_body(%arg0: i32, %arg1: i32, %arg2: memref<10240x128xf32, #tpu.memory_space<hbm>>, %arg3: memref<323584xi32, #tpu.memory_space<hbm>>, %arg4: memref<323584xi32, #tpu.memory_space<hbm>>, %arg5: memref<10240x128xf32, #tpu.memory_space<hbm>>, %arg6: memref<10240x128xf32, #tpu.memory_space<hbm>>, %arg7: memref<128xi32, #tpu.memory_space<vmem>>, %arg8: memref<128xi32, #tpu.memory_space<vmem>>, %arg9: memref<128x128xf32, #tpu.memory_space<vmem>>, %arg10: memref<128x128xf32, #tpu.memory_space<vmem>>, %arg11: memref<10240x128xf32, #tpu.memory_space<vmem_shared>>, %arg12: memref<!tpu.dma_semaphore, #tpu.memory_space<semaphore_mem>>) attributes {dimension_semantics = [#tpu.dimension_semantics<core_parallel>, #tpu.dimension_semantics<subcore_parallel>], iteration_bounds = array<i64: 2, 16>, scalar_prefetch = 0 : i64, scratch_operands = 6 : i64, tpu.core_type = #tpu.core_type<sc_vector_subcore>, window_params = [{transform_indices = #map}, {transform_indices = #map1}, {transform_indices = #map1}, {transform_indices = #map}, {transform_indices = #map}]} {
    %mul3A = arith.constant 2 : i32
    %mul3A_0 = arith.muli %arg1, %mul3A : i32
    %add3A = arith.addi %mul3A_0, %arg0 : i32
    %broadcast_in_dim3A = arith.constant 0.000000e+00 : f32
    %broadcast_in_dim3A_1 = vector.broadcast %broadcast_in_dim3A : f32 to vector<16xf32>
    %scan3A = arith.constant 0 : i32
    %scan3A_2 = arith.constant 0 : i32
    %scan3A_3 = arith.constant 1024 : i32
    %scan3A_4 = arith.addi %scan3A_2, %scan3A_3 : i32
    %scan3A_5 = arith.constant 1 : i32
    %scan3A_6 = scf.for %scan3A_45 = %scan3A_2 to %scan3A_4 step %scan3A_5 iter_args(%scan3A_46 = %scan3A) -> (i32)  : i32 {
      %jit3A = arith.constant 8 : i32
      %div3A = arith.divsi %scan3A_45, %jit3A : i32
      %sign3A = arith.constant 0 : i32
      %sign3A_47 = arith.cmpi sgt, %scan3A_45, %sign3A : i32
      %sign3A_48 = arith.extui %sign3A_47 : i1 to i32
      %sign3A_49 = arith.constant 0 : i32
      %sign3A_50 = arith.cmpi slt, %scan3A_45, %sign3A_49 : i32
      %sign3A_51 = arith.extui %sign3A_50 : i1 to i32
      %sign3A_52 = arith.subi %sign3A_48, %sign3A_51 : i32
      %sign3A_53 = arith.constant 0 : i32
      %sign3A_54 = arith.cmpi sgt, %jit3A, %sign3A_53 : i32
      %sign3A_55 = arith.extui %sign3A_54 : i1 to i32
      %sign3A_56 = arith.constant 0 : i32
      %sign3A_57 = arith.cmpi slt, %jit3A, %sign3A_56 : i32
      %sign3A_58 = arith.extui %sign3A_57 : i1 to i32
      %sign3A_59 = arith.subi %sign3A_55, %sign3A_58 : i32
      %ne3A = arith.cmpi ne, %sign3A_52, %sign3A_59 : i32
      %rem3A = arith.remsi %scan3A_45, %jit3A : i32
      %ne3A_60 = arith.constant 0 : i32
      %ne3A_61 = arith.cmpi ne, %rem3A, %ne3A_60 : i32
      %and3A = arith.andi %ne3A, %ne3A_61 : i1
      %sub3A = arith.constant 1 : i32
      %sub3A_62 = arith.subi %div3A, %sub3A : i32
      %select_n3A = arith.select %and3A, %sub3A_62, %div3A : i32
      %jit3A_63 = arith.constant 8 : i32
      %eq3A_64 = arith.constant 0 : i32
      %eq3A_65 = arith.cmpi eq, %jit3A_63, %eq3A_64 : i32
      %jit3A_66 = arith.constant 1 : i32
      %select_n3A_67 = arith.select %eq3A_65, %jit3A_66, %jit3A_63 : i32
      %rem3A_68 = arith.remsi %scan3A_45, %select_n3A_67 : i32
      %ne3A_69 = arith.constant 0 : i32
      %ne3A_70 = arith.cmpi ne, %rem3A_68, %ne3A_69 : i32
      %lt3A = arith.constant 0 : i32
      %lt3A_71 = arith.cmpi slt, %rem3A_68, %lt3A : i32
      %lt3A_72 = arith.constant 0 : i32
      %lt3A_73 = arith.cmpi slt, %select_n3A_67, %lt3A_72 : i32
      %ne3A_74 = arith.xori %lt3A_71, %lt3A_73 : i1
      %and3A_75 = arith.andi %ne3A_74, %ne3A_70 : i1
      %add3A_76 = arith.addi %rem3A_68, %select_n3A_67 : i32
      %select_n3A_77 = arith.select %and3A_75, %add3A_76, %rem3A_68 : i32
      %mul3A_78 = arith.constant 16 : i32
      %mul3A_79 = arith.muli %select_n3A_77, %mul3A_78 : i32
      %swap3A = arith.index_cast %select_n3A : i32 to index
      %swap3A_80 = arith.index_cast %mul3A_79 : i32 to index
      %swap3A_81 = tpu.vector_load %arg10[%swap3A, %swap3A_80] {strides = array<i32>} : memref<128x128xf32, #tpu.memory_space<vmem>>, vector<1x16xf32>,
      %swap3A_82 = vector.shape_cast %swap3A_81 : vector<1x16xf32> to vector<16xf32>
      %swap3A_83 = vector.shape_cast %broadcast_in_dim3A_1 : vector<16xf32> to vector<1x16xf32>
      tpu.vector_store %arg10[%swap3A, %swap3A_80], %swap3A_83 {strides = array<i32>} : memref<128x128xf32, #tpu.memory_space<vmem>>, vector<1x16xf32>,
      %scan3A_84 = arith.constant 0 : i32
      scf.yield %scan3A_84 : i32
    }
    %scan3A_7 = arith.constant 1024 : i32
    %mul3A_8 = arith.constant 640 : i32
    %mul3A_9 = arith.muli %arg1, %mul3A_8 : i32
    %add3A_10 = arith.constant 0 : i32
    %add3A_11 = arith.addi %mul3A_9, %add3A_10 : i32
    "tpu.region"() ({
      %run_scoped3A = tpu.sem_alloc : memref<!tpu.dma_semaphore, #tpu.memory_space<semaphore_mem>>
      %dma_start3A = arith.constant 0 : i32
      %dma_start3A_45 = tpu.memref_slice %arg11[%add3A_11, %dma_start3A] : memref<10240x128xf32, #tpu.memory_space<vmem_shared>> -> memref<128x128xf32, #tpu.memory_space<vmem_shared>>
      %dma_start3A_46 = arith.constant 0 : i32
      %dma_start3A_47 = tpu.memref_slice %arg11[%add3A_11, %dma_start3A_46] : memref<10240x128xf32, #tpu.memory_space<vmem_shared>> -> memref<128x128xf32, #tpu.memory_space<vmem_shared>>
      tpu.enqueue_dma source(%arg10 : memref<128x128xf32, #tpu.memory_space<vmem>>) target(%dma_start3A_47 : memref<128x128xf32, #tpu.memory_space<vmem_shared>>) target_semaphore(%run_scoped3A : memref<!tpu.dma_semaphore, #tpu.memory_space<semaphore_mem>>)
      %dma_wait3A = arith.constant 0 : i32
      %dma_wait3A_48 = tpu.memref_slice %arg11[%add3A_11, %dma_wait3A] : memref<10240x128xf32, #tpu.memory_space<vmem_shared>> -> memref<128x128xf32, #tpu.memory_space<vmem_shared>>
      %dma_wait3A_49 = arith.constant 0 : i32
      %dma_wait3A_50 = tpu.memref_slice %arg11[%add3A_11, %dma_wait3A_49] : memref<10240x128xf32, #tpu.memory_space<vmem_shared>> -> memref<128x128xf32, #tpu.memory_space<vmem_shared>>
      tpu.wait_dma2 semaphore(%run_scoped3A : memref<!tpu.dma_semaphore, #tpu.memory_space<semaphore_mem>>) src(%arg10 : memref<128x128xf32, #tpu.memory_space<vmem>>) dst(%dma_wait3A_50 : memref<128x128xf32, #tpu.memory_space<vmem_shared>>)
      tpu.yield
    }) : () -> ()
    %mul3A_12 = arith.constant 640 : i32
    %mul3A_13 = arith.muli %arg1, %mul3A_12 : i32
    %add3A_14 = arith.constant 128 : i32
    %add3A_15 = arith.addi %mul3A_13, %add3A_14 : i32
    "tpu.region"() ({
      %run_scoped3A = tpu.sem_alloc : memref<!tpu.dma_semaphore, #tpu.memory_space<semaphore_mem>>
      %dma_start3A = arith.constant 0 : i32
      %dma_start3A_45 = tpu.memref_slice %arg11[%add3A_15, %dma_start3A] : memref<10240x128xf32, #tpu.memory_space<vmem_shared>> -> memref<128x128xf32, #tpu.memory_space<vmem_shared>>
      %dma_start3A_46 = arith.constant 0 : i32
      %dma_start3A_47 = tpu.memref_slice %arg11[%add3A_15, %dma_start3A_46] : memref<10240x128xf32, #tpu.memory_space<vmem_shared>> -> memref<128x128xf32, #tpu.memory_space<vmem_shared>>
      tpu.enqueue_dma source(%arg10 : memref<128x128xf32, #tpu.memory_space<vmem>>) target(%dma_start3A_47 : memref<128x128xf32, #tpu.memory_space<vmem_shared>>) target_semaphore(%run_scoped3A : memref<!tpu.dma_semaphore, #tpu.memory_space<semaphore_mem>>)
      %dma_wait3A = arith.constant 0 : i32
      %dma_wait3A_48 = tpu.memref_slice %arg11[%add3A_15, %dma_wait3A] : memref<10240x128xf32, #tpu.memory_space<vmem_shared>> -> memref<128x128xf32, #tpu.memory_space<vmem_shared>>
      %dma_wait3A_49 = arith.constant 0 : i32
      %dma_wait3A_50 = tpu.memref_slice %arg11[%add3A_15, %dma_wait3A_49] : memref<10240x128xf32, #tpu.memory_space<vmem_shared>> -> memref<128x128xf32, #tpu.memory_space<vmem_shared>>
      tpu.wait_dma2 semaphore(%run_scoped3A : memref<!tpu.dma_semaphore, #tpu.memory_space<semaphore_mem>>) src(%arg10 : memref<128x128xf32, #tpu.memory_space<vmem>>) dst(%dma_wait3A_50 : memref<128x128xf32, #tpu.memory_space<vmem_shared>>)
      tpu.yield
    }) : () -> ()
    %mul3A_16 = arith.constant 640 : i32
    %mul3A_17 = arith.muli %arg1, %mul3A_16 : i32
    %add3A_18 = arith.constant 256 : i32
    %add3A_19 = arith.addi %mul3A_17, %add3A_18 : i32
    "tpu.region"() ({
      %run_scoped3A = tpu.sem_alloc : memref<!tpu.dma_semaphore, #tpu.memory_space<semaphore_mem>>
      %dma_start3A = arith.constant 0 : i32
      %dma_start3A_45 = tpu.memref_slice %arg11[%add3A_19, %dma_start3A] : memref<10240x128xf32, #tpu.memory_space<vmem_shared>> -> memref<128x128xf32, #tpu.memory_space<vmem_shared>>
      %dma_start3A_46 = arith.constant 0 : i32
      %dma_start3A_47 = tpu.memref_slice %arg11[%add3A_19, %dma_start3A_46] : memref<10240x128xf32, #tpu.memory_space<vmem_shared>> -> memref<128x128xf32, #tpu.memory_space<vmem_shared>>
      tpu.enqueue_dma source(%arg10 : memref<128x128xf32, #tpu.memory_space<vmem>>) target(%dma_start3A_47 : memref<128x128xf32, #tpu.memory_space<vmem_shared>>) target_semaphore(%run_scoped3A : memref<!tpu.dma_semaphore, #tpu.memory_space<semaphore_mem>>)
      %dma_wait3A = arith.constant 0 : i32
      %dma_wait3A_48 = tpu.memref_slice %arg11[%add3A_19, %dma_wait3A] : memref<10240x128xf32, #tpu.memory_space<vmem_shared>> -> memref<128x128xf32, #tpu.memory_space<vmem_shared>>
      %dma_wait3A_49 = arith.constant 0 : i32
      %dma_wait3A_50 = tpu.memref_slice %arg11[%add3A_19, %dma_wait3A_49] : memref<10240x128xf32, #tpu.memory_space<vmem_shared>> -> memref<128x128xf32, #tpu.memory_space<vmem_shared>>
      tpu.wait_dma2 semaphore(%run_scoped3A : memref<!tpu.dma_semaphore, #tpu.memory_space<semaphore_mem>>) src(%arg10 : memref<128x128xf32, #tpu.memory_space<vmem>>) dst(%dma_wait3A_50 : memref<128x128xf32, #tpu.memory_space<vmem_shared>>)
      tpu.yield
    }) : () -> ()
    %mul3A_20 = arith.constant 640 : i32
    %mul3A_21 = arith.muli %arg1, %mul3A_20 : i32
    %add3A_22 = arith.constant 384 : i32
    %add3A_23 = arith.addi %mul3A_21, %add3A_22 : i32
    "tpu.region"() ({
      %run_scoped3A = tpu.sem_alloc : memref<!tpu.dma_semaphore, #tpu.memory_space<semaphore_mem>>
      %dma_start3A = arith.constant 0 : i32
      %dma_start3A_45 = tpu.memref_slice %arg11[%add3A_23, %dma_start3A] : memref<10240x128xf32, #tpu.memory_space<vmem_shared>> -> memref<128x128xf32, #tpu.memory_space<vmem_shared>>
      %dma_start3A_46 = arith.constant 0 : i32
      %dma_start3A_47 = tpu.memref_slice %arg11[%add3A_23, %dma_start3A_46] : memref<10240x128xf32, #tpu.memory_space<vmem_shared>> -> memref<128x128xf32, #tpu.memory_space<vmem_shared>>
      tpu.enqueue_dma source(%arg10 : memref<128x128xf32, #tpu.memory_space<vmem>>) target(%dma_start3A_47 : memref<128x128xf32, #tpu.memory_space<vmem_shared>>) target_semaphore(%run_scoped3A : memref<!tpu.dma_semaphore, #tpu.memory_space<semaphore_mem>>)
      %dma_wait3A = arith.constant 0 : i32
      %dma_wait3A_48 = tpu.memref_slice %arg11[%add3A_23, %dma_wait3A] : memref<10240x128xf32, #tpu.memory_space<vmem_shared>> -> memref<128x128xf32, #tpu.memory_space<vmem_shared>>
      %dma_wait3A_49 = arith.constant 0 : i32
      %dma_wait3A_50 = tpu.memref_slice %arg11[%add3A_23, %dma_wait3A_49] : memref<10240x128xf32, #tpu.memory_space<vmem_shared>> -> memref<128x128xf32, #tpu.memory_space<vmem_shared>>
      tpu.wait_dma2 semaphore(%run_scoped3A : memref<!tpu.dma_semaphore, #tpu.memory_space<semaphore_mem>>) src(%arg10 : memref<128x128xf32, #tpu.memory_space<vmem>>) dst(%dma_wait3A_50 : memref<128x128xf32, #tpu.memory_space<vmem_shared>>)
      tpu.yield
    }) : () -> ()
    %mul3A_24 = arith.constant 640 : i32
    %mul3A_25 = arith.muli %arg1, %mul3A_24 : i32
    %add3A_26 = arith.constant 512 : i32
    %add3A_27 = arith.addi %mul3A_25, %add3A_26 : i32
    "tpu.region"() ({
      %run_scoped3A = tpu.sem_alloc : memref<!tpu.dma_semaphore, #tpu.memory_space<semaphore_mem>>
      %dma_start3A = arith.constant 0 : i32
      %dma_start3A_45 = tpu.memref_slice %arg11[%add3A_27, %dma_start3A] : memref<10240x128xf32, #tpu.memory_space<vmem_shared>> -> memref<128x128xf32, #tpu.memory_space<vmem_shared>>
      %dma_start3A_46 = arith.constant 0 : i32
      %dma_start3A_47 = tpu.memref_slice %arg11[%add3A_27, %dma_start3A_46] : memref<10240x128xf32, #tpu.memory_space<vmem_shared>> -> memref<128x128xf32, #tpu.memory_space<vmem_shared>>
      tpu.enqueue_dma source(%arg10 : memref<128x128xf32, #tpu.memory_space<vmem>>) target(%dma_start3A_47 : memref<128x128xf32, #tpu.memory_space<vmem_shared>>) target_semaphore(%run_scoped3A : memref<!tpu.dma_semaphore, #tpu.memory_space<semaphore_mem>>)
      %dma_wait3A = arith.constant 0 : i32
      %dma_wait3A_48 = tpu.memref_slice %arg11[%add3A_27, %dma_wait3A] : memref<10240x128xf32, #tpu.memory_space<vmem_shared>> -> memref<128x128xf32, #tpu.memory_space<vmem_shared>>
      %dma_wait3A_49 = arith.constant 0 : i32
      %dma_wait3A_50 = tpu.memref_slice %arg11[%add3A_27, %dma_wait3A_49] : memref<10240x128xf32, #tpu.memory_space<vmem_shared>> -> memref<128x128xf32, #tpu.memory_space<vmem_shared>>
      tpu.wait_dma2 semaphore(%run_scoped3A : memref<!tpu.dma_semaphore, #tpu.memory_space<semaphore_mem>>) src(%arg10 : memref<128x128xf32, #tpu.memory_space<vmem>>) dst(%dma_wait3A_50 : memref<128x128xf32, #tpu.memory_space<vmem_shared>>)
      tpu.yield
    }) : () -> ()
    %barrier3A = arith.constant 0 : index
    tpu.barrier barrier_id(%barrier3A)
    %mul3A_28 = arith.constant 10112 : i32
    %mul3A_29 = arith.muli %add3A, %mul3A_28 : i32
    %scan3A_30 = arith.constant 0 : i32
    %scan3A_31 = arith.constant 0 : i32
    %scan3A_32 = arith.constant 79 : i32
    %scan3A_33 = arith.addi %scan3A_31, %scan3A_32 : i32
    %scan3A_34 = arith.constant 1 : i32
    %scan3A_35 = scf.for %scan3A_45 = %scan3A_31 to %scan3A_33 step %scan3A_34 iter_args(%scan3A_46 = %scan3A_30) -> (i32)  : i32 {
      %mul3A_47 = arith.constant 128 : i32
      %mul3A_48 = arith.muli %scan3A_45, %mul3A_47 : i32
      %add3A_49 = arith.addi %mul3A_29, %mul3A_48 : i32
      "tpu.region"() ({
        %run_scoped3A = tpu.sem_alloc : memref<!tpu.dma_semaphore, #tpu.memory_space<semaphore_mem>>
        %dma_start3A_55 = tpu.memref_slice %arg3[%add3A_49] : memref<323584xi32, #tpu.memory_space<hbm>> -> memref<128xi32, #tpu.memory_space<hbm>>
        %dma_start3A_56 = tpu.memref_slice %arg3[%add3A_49] : memref<323584xi32, #tpu.memory_space<hbm>> -> memref<128xi32, #tpu.memory_space<hbm>>
        tpu.enqueue_dma source(%dma_start3A_56 : memref<128xi32, #tpu.memory_space<hbm>>) target(%arg7 : memref<128xi32, #tpu.memory_space<vmem>>) target_semaphore(%run_scoped3A : memref<!tpu.dma_semaphore, #tpu.memory_space<semaphore_mem>>)
        %dma_wait3A_57 = tpu.memref_slice %arg3[%add3A_49] : memref<323584xi32, #tpu.memory_space<hbm>> -> memref<128xi32, #tpu.memory_space<hbm>>
        %dma_wait3A_58 = tpu.memref_slice %arg3[%add3A_49] : memref<323584xi32, #tpu.memory_space<hbm>> -> memref<128xi32, #tpu.memory_space<hbm>>
        tpu.wait_dma2 semaphore(%run_scoped3A : memref<!tpu.dma_semaphore, #tpu.memory_space<semaphore_mem>>) src(%dma_wait3A_58 : memref<128xi32, #tpu.memory_space<hbm>>) dst(%arg7 : memref<128xi32, #tpu.memory_space<vmem>>)
        tpu.yield
      }) : () -> ()
      "tpu.region"() ({
        %run_scoped3A = tpu.sem_alloc : memref<!tpu.dma_semaphore, #tpu.memory_space<semaphore_mem>>
        %dma_start3A_55 = tpu.memref_slice %arg4[%add3A_49] : memref<323584xi32, #tpu.memory_space<hbm>> -> memref<128xi32, #tpu.memory_space<hbm>>
        %dma_start3A_56 = tpu.memref_slice %arg4[%add3A_49] : memref<323584xi32, #tpu.memory_space<hbm>> -> memref<128xi32, #tpu.memory_space<hbm>>
        tpu.enqueue_dma source(%dma_start3A_56 : memref<128xi32, #tpu.memory_space<hbm>>) target(%arg8 : memref<128xi32, #tpu.memory_space<vmem>>) target_semaphore(%run_scoped3A : memref<!tpu.dma_semaphore, #tpu.memory_space<semaphore_mem>>)
        %dma_wait3A_57 = tpu.memref_slice %arg4[%add3A_49] : memref<323584xi32, #tpu.memory_space<hbm>> -> memref<128xi32, #tpu.memory_space<hbm>>
        %dma_wait3A_58 = tpu.memref_slice %arg4[%add3A_49] : memref<323584xi32, #tpu.memory_space<hbm>> -> memref<128xi32, #tpu.memory_space<hbm>>
        tpu.wait_dma2 semaphore(%run_scoped3A : memref<!tpu.dma_semaphore, #tpu.memory_space<semaphore_mem>>) src(%dma_wait3A_58 : memref<128xi32, #tpu.memory_space<hbm>>) dst(%arg8 : memref<128xi32, #tpu.memory_space<vmem>>)
        tpu.yield
      }) : () -> ()
      %dma_start3A = arith.constant 0 : i32
      %dma_start3A_50 = arith.constant 0 : i32
      %dma_start3A_51 = tpu.memref_slice %arg2[%dma_start3A, %dma_start3A_50] : memref<10240x128xf32, #tpu.memory_space<hbm>> -> memref<10240x128xf32, #tpu.memory_space<hbm>>
      tpu.enqueue_indirect_dma source(%dma_start3A_51 : memref<10240x128xf32, #tpu.memory_space<hbm>>) target(%arg9 : memref<128x128xf32, #tpu.memory_space<vmem>>) offsets(%arg7 : memref<128xi32, #tpu.memory_space<vmem>>) semaphore(%arg12 : memref<!tpu.dma_semaphore, #tpu.memory_space<semaphore_mem>>)
      %dma_wait3A = arith.constant 0 : i32
      %dma_wait3A_52 = arith.constant 0 : i32
      %dma_wait3A_53 = tpu.memref_slice %arg2[%dma_wait3A, %dma_wait3A_52] : memref<10240x128xf32, #tpu.memory_space<hbm>> -> memref<10240x128xf32, #tpu.memory_space<hbm>>
      tpu.wait_indirect_dma semaphore(%arg12 : memref<!tpu.dma_semaphore, #tpu.memory_space<semaphore_mem>>) src(%dma_wait3A_53 : memref<10240x128xf32, #tpu.memory_space<hbm>>) dst(%arg9 : memref<128x128xf32, #tpu.memory_space<vmem>>)
      "tpu.region"() ({
        %run_scoped3A = tpu.sem_alloc : memref<!tpu.dma_semaphore, #tpu.memory_space<semaphore_mem>>
        %dma_start3A_55 = arith.constant 0 : i32
        %dma_start3A_56 = arith.constant 0 : i32
        %dma_start3A_57 = tpu.memref_slice %arg11[%dma_start3A_55, %dma_start3A_56] : memref<10240x128xf32, #tpu.memory_space<vmem_shared>> -> memref<10240x128xf32, #tpu.memory_space<vmem_shared>>
        tpu.enqueue_indirect_dma source(%arg9 : memref<128x128xf32, #tpu.memory_space<vmem>>) target(%dma_start3A_57 : memref<10240x128xf32, #tpu.memory_space<vmem_shared>>) offsets(%arg8 : memref<128xi32, #tpu.memory_space<vmem>>) semaphore(%run_scoped3A : memref<!tpu.dma_semaphore, #tpu.memory_space<semaphore_mem>>) {add = true}
        %dma_wait3A_58 = arith.constant 0 : i32
        %dma_wait3A_59 = arith.constant 0 : i32
        %dma_wait3A_60 = tpu.memref_slice %arg11[%dma_wait3A_58, %dma_wait3A_59] : memref<10240x128xf32, #tpu.memory_space<vmem_shared>> -> memref<10240x128xf32, #tpu.memory_space<vmem_shared>>
        tpu.wait_indirect_dma semaphore(%run_scoped3A : memref<!tpu.dma_semaphore, #tpu.memory_space<semaphore_mem>>) src(%arg9 : memref<128x128xf32, #tpu.memory_space<vmem>>) dst(%dma_wait3A_60 : memref<10240x128xf32, #tpu.memory_space<vmem_shared>>)
        tpu.yield
      }) : () -> ()
      %scan3A_54 = arith.constant 0 : i32
      scf.yield %scan3A_54 : i32
    }
    %scan3A_36 = arith.constant 79 : i32
    %barrier3A_37 = arith.constant 0 : index
    tpu.barrier barrier_id(%barrier3A_37)
    %eq3A = arith.constant 0 : i32
    %eq3A_38 = arith.cmpi eq, %arg0, %eq3A : i32
    %convert_element_type3A = arith.extui %eq3A_38 : i1 to i32
    %cond3A = arith.constant 0 : i32
    %cond3A_39 = arith.cmpi ne, %convert_element_type3A, %cond3A : i32
    scf.if %cond3A_39 {
      %mul3A_45 = arith.constant 640 : i32
      %mul3A_46 = arith.muli %arg1, %mul3A_45 : i32
      %mul3A_47 = arith.constant 640 : i32
      %mul3A_48 = arith.muli %arg1, %mul3A_47 : i32
      "tpu.region"() ({
        %run_scoped3A = tpu.sem_alloc : memref<!tpu.dma_semaphore, #tpu.memory_space<semaphore_mem>>
        %dma_start3A = arith.constant 0 : i32
        %dma_start3A_49 = tpu.memref_slice %arg5[%mul3A_48, %dma_start3A] : memref<10240x128xf32, #tpu.memory_space<hbm>> -> memref<640x128xf32, #tpu.memory_space<hbm>>
        %dma_start3A_50 = arith.constant 0 : i32
        %dma_start3A_51 = tpu.memref_slice %arg11[%mul3A_46, %dma_start3A_50] : memref<10240x128xf32, #tpu.memory_space<vmem_shared>> -> memref<640x128xf32, #tpu.memory_space<vmem_shared>>
        tpu.enqueue_dma source(%dma_start3A_51 : memref<640x128xf32, #tpu.memory_space<vmem_shared>>) target(%dma_start3A_49 : memref<640x128xf32, #tpu.memory_space<hbm>>) target_semaphore(%run_scoped3A : memref<!tpu.dma_semaphore, #tpu.memory_space<semaphore_mem>>)
        %dma_wait3A = arith.constant 0 : i32
        %dma_wait3A_52 = tpu.memref_slice %arg5[%mul3A_48, %dma_wait3A] : memref<10240x128xf32, #tpu.memory_space<hbm>> -> memref<640x128xf32, #tpu.memory_space<hbm>>
        %dma_wait3A_53 = arith.constant 0 : i32
        %dma_wait3A_54 = tpu.memref_slice %arg11[%mul3A_46, %dma_wait3A_53] : memref<10240x128xf32, #tpu.memory_space<vmem_shared>> -> memref<640x128xf32, #tpu.memory_space<vmem_shared>>
        tpu.wait_dma2 semaphore(%run_scoped3A : memref<!tpu.dma_semaphore, #tpu.memory_space<semaphore_mem>>) src(%dma_wait3A_54 : memref<640x128xf32, #tpu.memory_space<vmem_shared>>) dst(%dma_wait3A_52 : memref<640x128xf32, #tpu.memory_space<hbm>>)
        tpu.yield
      }) : () -> ()
    } else {
    }
    %eq3A_40 = arith.constant 1 : i32
    %eq3A_41 = arith.cmpi eq, %arg0, %eq3A_40 : i32
    %convert_element_type3A_42 = arith.extui %eq3A_41 : i1 to i32
    %cond3A_43 = arith.constant 0 : i32
    %cond3A_44 = arith.cmpi ne, %convert_element_type3A_42, %cond3A_43 : i32
    scf.if %cond3A_44 {
      %mul3A_45 = arith.constant 640 : i32
      %mul3A_46 = arith.muli %arg1, %mul3A_45 : i32
      %mul3A_47 = arith.constant 640 : i32
      %mul3A_48 = arith.muli %arg1, %mul3A_47 : i32
      "tpu.region"() ({
        %run_scoped3A = tpu.sem_alloc : memref<!tpu.dma_semaphore, #tpu.memory_space<semaphore_mem>>
        %dma_start3A = arith.constant 0 : i32
        %dma_start3A_49 = tpu.memref_slice %arg6[%mul3A_48, %dma_start3A] : memref<10240x128xf32, #tpu.memory_space<hbm>> -> memref<640x128xf32, #tpu.memory_space<hbm>>
        %dma_start3A_50 = arith.constant 0 : i32
        %dma_start3A_51 = tpu.memref_slice %arg11[%mul3A_46, %dma_start3A_50] : memref<10240x128xf32, #tpu.memory_space<vmem_shared>> -> memref<640x128xf32, #tpu.memory_space<vmem_shared>>
        tpu.enqueue_dma source(%dma_start3A_51 : memref<640x128xf32, #tpu.memory_space<vmem_shared>>) target(%dma_start3A_49 : memref<640x128xf32, #tpu.memory_space<hbm>>) target_semaphore(%run_scoped3A : memref<!tpu.dma_semaphore, #tpu.memory_space<semaphore_mem>>)
        %dma_wait3A = arith.constant 0 : i32
        %dma_wait3A_52 = tpu.memref_slice %arg6[%mul3A_48, %dma_wait3A] : memref<10240x128xf32, #tpu.memory_space<hbm>> -> memref<640x128xf32, #tpu.memory_space<hbm>>
        %dma_wait3A_53 = arith.constant 0 : i32
        %dma_wait3A_54 = tpu.memref_slice %arg11[%mul3A_46, %dma_wait3A_53] : memref<10240x128xf32, #tpu.memory_space<vmem_shared>> -> memref<640x128xf32, #tpu.memory_space<vmem_shared>>
        tpu.wait_dma2 semaphore(%run_scoped3A : memref<!tpu.dma_semaphore, #tpu.memory_space<semaphore_mem>>) src(%dma_wait3A_54 : memref<640x128xf32, #tpu.memory_space<vmem_shared>>) dst(%dma_wait3A_52 : memref<640x128xf32, #tpu.memory_space<hbm>>)
        tpu.yield
      }) : () -> ()
    } else {
    }
    return
  }
}

module attributes {stable_mosaic.version = 14 : i64} {
  func.func @_b1_body(%arg0: memref<10240x128xf32, #tpu.memory_space<vmem>>, %arg1: memref<128x128xf32, #tpu.memory_space<vmem>>, %arg2: memref<10240x1xf32, #tpu.memory_space<vmem>>, %arg3: memref<10240x1xf32, #tpu.memory_space<vmem>>, %arg4: memref<10240x128xf32, #tpu.memory_space<vmem>>) attributes {dimension_semantics = [], scalar_prefetch = 0 : i64, scratch_operands = 0 : i64, tpu.core_type = #tpu.core_type<tc>} {
    %get3A = arith.constant 0 : index
    %get3A_0 = arith.constant 0 : index
    %get3A_1 = vector.load %arg2[%get3A, %get3A_0] : memref<10240x1xf32, #tpu.memory_space<vmem>>, vector<10240x1xf32>
    %get3A_2 = arith.constant 0 : index
    %get3A_3 = arith.constant 0 : index
    %get3A_4 = vector.load %arg3[%get3A_2, %get3A_3] : memref<10240x1xf32, #tpu.memory_space<vmem>>, vector<10240x1xf32>
    %add3A = arith.addf %get3A_1, %get3A_4 : vector<10240x1xf32>
    %add3A_5 = arith.constant 1.000000e+00 : f32
    %add3A_6 = vector.broadcast %add3A_5 : f32 to vector<10240x1xf32>
    %add3A_7 = arith.addf %add3A, %add3A_6 : vector<10240x1xf32>
    %rsqrt3A = math.rsqrt %add3A_7 : vector<10240x1xf32>
    %get3A_8 = arith.constant 0 : index
    %get3A_9 = arith.constant 0 : index
    %get3A_10 = vector.load %arg0[%get3A_8, %get3A_9] : memref<10240x128xf32, #tpu.memory_space<vmem>>, vector<10240x128xf32>
    %get3A_11 = arith.constant 0 : index
    %get3A_12 = arith.constant 0 : index
    %get3A_13 = vector.load %arg1[%get3A_11, %get3A_12] : memref<128x128xf32, #tpu.memory_space<vmem>>, vector<128x128xf32>
    %dot_general3A = arith.constant dense<0.000000e+00> : vector<10240x128xf32>
    %dot_general3A_14 = tpu.matmul %get3A_10, %get3A_13, %dot_general3A {dimension_numbers = #tpu.dot_dimension_numbers<[1], [0], [0], [1], [0, 0, 1, 1], [], []>, transpose_lhs_hint = false} : vector<10240x128xf32>, vector<128x128xf32>, vector<10240x128xf32> -> vector<10240x128xf32>
    %mul3A = vector.broadcast %rsqrt3A : vector<10240x1xf32> to vector<10240x128xf32>
    %mul3A_15 = arith.mulf %dot_general3A_14, %mul3A : vector<10240x128xf32>
    %swap3A = arith.constant 0 : index
    %swap3A_16 = arith.constant 0 : index
    %swap3A_17 = vector.load %arg4[%swap3A, %swap3A_16] : memref<10240x128xf32, #tpu.memory_space<vmem>>, vector<10240x128xf32>
    tpu.vector_store %arg4[%swap3A, %swap3A_16], %mul3A_15 {strides = array<i32>} : memref<10240x128xf32, #tpu.memory_space<vmem>>, vector<10240x128xf32>,
    return
  }
}

module attributes {stable_mosaic.version = 14 : i64} {
  func.func @_b2_body(%arg0: memref<10240x128xf32, #tpu.memory_space<vmem>>, %arg1: memref<10240x128xf32, #tpu.memory_space<vmem>>, %arg2: memref<10240x128xf32, #tpu.memory_space<vmem>>, %arg3: memref<10240x1xf32, #tpu.memory_space<vmem>>, %arg4: memref<10240x1xf32, #tpu.memory_space<vmem>>, %arg5: memref<1x128xf32, #tpu.memory_space<vmem>>, %arg6: memref<128x128xf32, #tpu.memory_space<vmem>>, %arg7: memref<10240x128xf32, #tpu.memory_space<vmem>>) attributes {dimension_semantics = [], scalar_prefetch = 0 : i64, scratch_operands = 0 : i64, tpu.core_type = #tpu.core_type<tc>} {
    %get3A = arith.constant 0 : index
    %get3A_0 = arith.constant 0 : index
    %get3A_1 = vector.load %arg3[%get3A, %get3A_0] : memref<10240x1xf32, #tpu.memory_space<vmem>>, vector<10240x1xf32>
    %get3A_2 = arith.constant 0 : index
    %get3A_3 = arith.constant 0 : index
    %get3A_4 = vector.load %arg4[%get3A_2, %get3A_3] : memref<10240x1xf32, #tpu.memory_space<vmem>>, vector<10240x1xf32>
    %add3A = arith.addf %get3A_1, %get3A_4 : vector<10240x1xf32>
    %add3A_5 = arith.constant 1.000000e+00 : f32
    %add3A_6 = vector.broadcast %add3A_5 : f32 to vector<10240x1xf32>
    %add3A_7 = arith.addf %add3A, %add3A_6 : vector<10240x1xf32>
    %rsqrt3A = math.rsqrt %add3A_7 : vector<10240x1xf32>
    %get3A_8 = arith.constant 0 : index
    %get3A_9 = arith.constant 0 : index
    %get3A_10 = vector.load %arg0[%get3A_8, %get3A_9] : memref<10240x128xf32, #tpu.memory_space<vmem>>, vector<10240x128xf32>
    %get3A_11 = arith.constant 0 : index
    %get3A_12 = arith.constant 0 : index
    %get3A_13 = vector.load %arg1[%get3A_11, %get3A_12] : memref<10240x128xf32, #tpu.memory_space<vmem>>, vector<10240x128xf32>
    %add3A_14 = arith.addf %get3A_10, %get3A_13 : vector<10240x128xf32>
    %get3A_15 = arith.constant 0 : index
    %get3A_16 = arith.constant 0 : index
    %get3A_17 = vector.load %arg2[%get3A_15, %get3A_16] : memref<10240x128xf32, #tpu.memory_space<vmem>>, vector<10240x128xf32>
    %add3A_18 = arith.addf %add3A_14, %get3A_17 : vector<10240x128xf32>
    %mul3A = vector.broadcast %rsqrt3A : vector<10240x1xf32> to vector<10240x128xf32>
    %mul3A_19 = arith.mulf %add3A_18, %mul3A : vector<10240x128xf32>
    %get3A_20 = arith.constant 0 : index
    %get3A_21 = arith.constant 0 : index
    %get3A_22 = vector.load %arg5[%get3A_20, %get3A_21] : memref<1x128xf32, #tpu.memory_space<vmem>>, vector<1x128xf32>
    %add3A_23 = vector.broadcast %get3A_22 : vector<1x128xf32> to vector<10240x128xf32>
    %add3A_24 = arith.addf %mul3A_19, %add3A_23 : vector<10240x128xf32>
    %max3A = arith.constant 0.000000e+00 : f32
    %max3A_25 = vector.broadcast %max3A : f32 to vector<10240x128xf32>
    %max3A_26 = arith.maximumf %add3A_24, %max3A_25 : vector<10240x128xf32>
    %get3A_27 = arith.constant 0 : index
    %get3A_28 = arith.constant 0 : index
    %get3A_29 = vector.load %arg6[%get3A_27, %get3A_28] : memref<128x128xf32, #tpu.memory_space<vmem>>, vector<128x128xf32>
    %dot_general3A = arith.constant dense<0.000000e+00> : vector<10240x128xf32>
    %dot_general3A_30 = tpu.matmul %max3A_26, %get3A_29, %dot_general3A {dimension_numbers = #tpu.dot_dimension_numbers<[1], [0], [0], [1], [0, 0, 1, 1], [], []>, transpose_lhs_hint = false} : vector<10240x128xf32>, vector<128x128xf32>, vector<10240x128xf32> -> vector<10240x128xf32>
    %mul3A_31 = vector.broadcast %rsqrt3A : vector<10240x1xf32> to vector<10240x128xf32>
    %mul3A_32 = arith.mulf %dot_general3A_30, %mul3A_31 : vector<10240x128xf32>
    %iota3A = tpu.iota {dimensions = array<i32: 0>} : vector<10240x128xi32>
    %lt3A = arith.constant 10000 : i32
    %lt3A_33 = vector.broadcast %lt3A : i32 to vector<10240x128xi32>
    %lt3A_34 = arith.cmpi slt, %iota3A, %lt3A_33 : vector<10240x128xi32>
    %jit3A = arith.constant 0.000000e+00 : f32
    %broadcast_in_dim3A = vector.broadcast %jit3A : f32 to vector<10240x128xf32>
    %select_n3A = arith.select %lt3A_34, %mul3A_32, %broadcast_in_dim3A : vector<10240x128xi1>, vector<10240x128xf32>
    %swap3A = arith.constant 0 : index
    %swap3A_35 = arith.constant 0 : index
    %swap3A_36 = vector.load %arg7[%swap3A, %swap3A_35] : memref<10240x128xf32, #tpu.memory_space<vmem>>, vector<10240x128xf32>
    tpu.vector_store %arg7[%swap3A, %swap3A_35], %select_n3A {strides = array<i32>} : memref<10240x128xf32, #tpu.memory_space<vmem>>, vector<10240x128xf32>,
    return
  }
}

module attributes {stable_mosaic.version = 14 : i64} {
  func.func @_b3_body(%arg0: memref<10240x128xf32, #tpu.memory_space<vmem>>, %arg1: memref<10240x128xf32, #tpu.memory_space<vmem>>, %arg2: memref<10240x128xf32, #tpu.memory_space<vmem>>, %arg3: memref<10240x1xf32, #tpu.memory_space<vmem>>, %arg4: memref<10240x1xf32, #tpu.memory_space<vmem>>, %arg5: memref<1x128xf32, #tpu.memory_space<vmem>>, %arg6: memref<10240x128xf32, #tpu.memory_space<vmem>>) attributes {dimension_semantics = [], scalar_prefetch = 0 : i64, scratch_operands = 0 : i64, tpu.core_type = #tpu.core_type<tc>} {
    %get3A = arith.constant 0 : index
    %get3A_0 = arith.constant 0 : index
    %get3A_1 = vector.load %arg3[%get3A, %get3A_0] : memref<10240x1xf32, #tpu.memory_space<vmem>>, vector<10240x1xf32>
    %get3A_2 = arith.constant 0 : index
    %get3A_3 = arith.constant 0 : index
    %get3A_4 = vector.load %arg4[%get3A_2, %get3A_3] : memref<10240x1xf32, #tpu.memory_space<vmem>>, vector<10240x1xf32>
    %add3A = arith.addf %get3A_1, %get3A_4 : vector<10240x1xf32>
    %add3A_5 = arith.constant 1.000000e+00 : f32
    %add3A_6 = vector.broadcast %add3A_5 : f32 to vector<10240x1xf32>
    %add3A_7 = arith.addf %add3A, %add3A_6 : vector<10240x1xf32>
    %rsqrt3A = math.rsqrt %add3A_7 : vector<10240x1xf32>
    %get3A_8 = arith.constant 0 : index
    %get3A_9 = arith.constant 0 : index
    %get3A_10 = vector.load %arg0[%get3A_8, %get3A_9] : memref<10240x128xf32, #tpu.memory_space<vmem>>, vector<10240x128xf32>
    %get3A_11 = arith.constant 0 : index
    %get3A_12 = arith.constant 0 : index
    %get3A_13 = vector.load %arg1[%get3A_11, %get3A_12] : memref<10240x128xf32, #tpu.memory_space<vmem>>, vector<10240x128xf32>
    %add3A_14 = arith.addf %get3A_10, %get3A_13 : vector<10240x128xf32>
    %get3A_15 = arith.constant 0 : index
    %get3A_16 = arith.constant 0 : index
    %get3A_17 = vector.load %arg2[%get3A_15, %get3A_16] : memref<10240x128xf32, #tpu.memory_space<vmem>>, vector<10240x128xf32>
    %add3A_18 = arith.addf %add3A_14, %get3A_17 : vector<10240x128xf32>
    %mul3A = vector.broadcast %rsqrt3A : vector<10240x1xf32> to vector<10240x128xf32>
    %mul3A_19 = arith.mulf %add3A_18, %mul3A : vector<10240x128xf32>
    %get3A_20 = arith.constant 0 : index
    %get3A_21 = arith.constant 0 : index
    %get3A_22 = vector.load %arg5[%get3A_20, %get3A_21] : memref<1x128xf32, #tpu.memory_space<vmem>>, vector<1x128xf32>
    %add3A_23 = vector.broadcast %get3A_22 : vector<1x128xf32> to vector<10240x128xf32>
    %add3A_24 = arith.addf %mul3A_19, %add3A_23 : vector<10240x128xf32>
    %swap3A = arith.constant 0 : index
    %swap3A_25 = arith.constant 0 : index
    %swap3A_26 = vector.load %arg6[%swap3A, %swap3A_25] : memref<10240x128xf32, #tpu.memory_space<vmem>>, vector<10240x128xf32>
    tpu.vector_store %arg6[%swap3A, %swap3A_25], %add3A_24 {strides = array<i32>} : memref<10240x128xf32, #tpu.memory_space<vmem>>, vector<10240x128xf32>,
    return
  }
}

</mosaic_0001>

<sc_bundles>
// kernel: kernel.11.cloned.1.call-start
scs
__scs_entry_jumppad:
0x0: {  	(pc) =	sbr.rel $0x88, $3  }
0x1: {  	(tag) =	ssettag $0x0;
	lr =	simm.s32 $0x1  }
0x2: {  	[smem:$0x3F9B] =	sst lr;
	_ =	strace $0xD0000000  }
0x3: {  	_ = 	snop  }
0x4: {  	_ = 	snop  }
0x5: {  	_ = 	snop  }
0x6: {  	_ = 	snop  }
0x7: {  	_ = 	snop  }
__scs_overlays_trampoline_lowered:
0x8: {  	[smem:$0x3FAA] =	sst s0  }
0x9: {  	[smem:$0x3FAB] =	sst s1  }
0xa: {  	[smem:$0x3FAC] =	sst s2  }
0xb: {  	[smem:$0x3FAD] =	sst s3  }
0xc: {  	[smem:$0x3FAE] =	sst s4  }
0xd: {  	[smem:$0x3FAF] =	sst s5  }
0xe: {  	[smem:$0x3FB0] =	sst s6  }
0xf: {  	[smem:$0x3FB1] =	sst s7  }
0x10: {  	[smem:$0x3FB2] =	sst s8  }
0x11: {  	[smem:$0x3FB3] =	sst s9;
	s0 =	simm.s32 @!p0 $0x0  }
0x12: {  	s1 =	sld [smem:$0x3F99];
	s0 =	simm.s32 @p0 $0x1  }
0x13: {  	[smem:$0x3FB4] =	sst s0;
	s0 =	simm.s32 @!p1 $0x0  }
0x14: {  	s2 =	sld [smem:$0x3F98];
	s0 =	simm.s32 @p1 $0x1  }
0x15: {  	[smem:$0x3FB5] =	sst s0;
	s0 =	simm.s32 @!p2 $0x0  }
0x16: {  	s3 =	sld [smem:$0x3FDB];
	s0 =	simm.s32 @p2 $0x1  }
0x17: {  	s4 =	simm.s32 $0x1BF5;
	[smem:$0x3FB7] =	sst s0  }
0x18: {  	s0 =	sld [smem:$0x3F9A];
	_ =	swait.ge [sflag:s4], $0x0  }
0x19: {  	s7 =	sld [smem:$0x3F9B]  }
0x1a: {  	s8 =	sadd.s32 $0xFFFFE003, lr  }
0x1b: {  	s9 =	sadd.s32 $0xFFFFFEF7, lr;
	s5 =	simm.s32 $0xFFFFFFFF;
	p2 =	slt.u32 s8, $0xFFFFF086  }
0x1c: {  	p1 =	slt.u32 s9, $0xF7A;
	s5 =	simm.s32 @!p2 $0x0  }
0x1d: {  	s5 =	simm.s32 @p1 $0x1;
	p0 =	seq.s32 s7, s2  }
0x1e: {  	s7 =	smul.u32 @!p0 $0xF7A, s2;
	p2 =	seq.s32 @!p0 s5, $0x0  }
0x1f: {  	s9 =	smul.u32 $0xF7A, s1;
	s8 =	simm.s32 @!p0 $0x1BF5;
	p2 =	por !p2, p0  }
0x20: {  	[sflag:s8] =	ssyncset.s32 @!p0 $0xFFFFF086;
	s6 =	sadd.s32 @!p0 s3, s7;
	s7 =	simm.s32 @!p0 $0x108  }
0x21: {  	s3 =	sadd.s32 s3, s9;
	s6 =	sadd.s32 @!p0 $0x88, s6;
	s7 =	simm.s32 @p2 $0x1082  }
0x22: {  	[simem:s7], [sflag:s8] =	dma.local @!p0 [hbm:s6], $0xF7A  }
0x23: {  	s9 =	sor.u32 $0xD0000000, s2;
	s6 =	simm.s32 $0x108;
	_ =	swait.ge @!p0 [sflag:s8], $0x0  }
0x24: {  	s3 =	sadd.s32 $0x88, s3;
	s6 =	simm.s32 @!p1 $0x1082;
	[sflag:s4] =	ssyncset.s32 $0xFFFFF086  }
0x25: {  	[simem:s6], [sflag:s4] =	dma.local [hbm:s3], $0xF7A  }
0x26: {  	[smem:$0x3F9B] =	sst s1;
	(tag) =	ssettag s2;
	_ =	strace s9  }
0x27: {  	s1 =	sld [smem:$0x3FAB]  }
0x28: {  	s2 =	sld [smem:$0x3FAC]  }
0x29: {  	s4 =	sld [smem:$0x3FAE]  }
0x2a: {  	p0 =	seq.s32 s5, $0x0;
	s5 =	sld [smem:$0x3FAF]  }
0x2b: {  	s6 =	sld [smem:$0x3FB0]  }
0x2c: {  	s7 =	sld [smem:$0x3FB1]  }
0x2d: {  	s3 =	simm.s32 $0x108;
	s8 =	sld [smem:$0x3FB2]  }
0x2e: {  	s3 =	simm.s32 @!p0 $0x1082;
	s9 =	sld [smem:$0x3FB3]  }
0x2f: {  	lr =	sadd.s32 s0, s3;
	s0 =	sld [smem:$0x3FAA]  }
0x30: {  	s3 =	sld [smem:$0x3FAD]  }
0x31: {  	[smem:$0x3FB6] =	sst s10  }
0x32: {  	s10 =	sld [smem:$0x3FB4];
	_ =	sdelay $0x3  }
0x33: {  	p0 =	seq.s32 s10, $0x1;
	s10 =	sld [smem:$0x3FB6];
	_ =	sdelay $0x3  }
0x34: {  	[smem:$0x3FB6] =	sst s10  }
0x35: {  	s10 =	sld [smem:$0x3FB5];
	_ =	sdelay $0x3  }
0x36: {  	p1 =	seq.s32 s10, $0x1;
	s10 =	sld [smem:$0x3FB6];
	_ =	sdelay $0x3  }
0x37: {  	[smem:$0x3FB6] =	sst s10  }
0x38: {  	s10 =	sld [smem:$0x3FB7]  }
0x39: {  	_ = 	snop;
	(pc) =	sbr.ind lr, $3  }
0x3a: {  	_ = 	snop  }
0x3b: {  	_ = 	snop  }
0x3c: {  	p2 =	seq.s32 s10, $0x1;
	s10 =	sld [smem:$0x3FB6]  }
0x3d: {  	_ =	shalt  }
0x3e: {  	_ =	shalt  }
0x3f: {  	_ =	shalt  }
0x40: {  	_ =	shalt  }
0x41: {  	_ =	shalt  }
0x42: {  	_ =	shalt  }
0x43: {  	_ =	shalt  }
0x44: {  	_ =	shalt  }
0x45: {  	_ =	shalt  }
0x46: {  	_ =	shalt  }
0x47: {  	_ =	shalt  }
0x48: {  	_ =	shalt  }
0x49: {  	_ =	shalt  }
0x4a: {  	_ =	shalt  }
0x4b: {  	_ =	shalt  }
0x4c: {  	_ =	shalt  }
0x4d: {  	_ =	shalt  }
0x4e: {  	_ =	shalt  }
0x4f: {  	_ =	shalt  }
0x50: {  	_ =	shalt  }
0x51: {  	_ =	shalt  }
0x52: {  	_ =	shalt  }
0x53: {  	_ =	shalt  }
0x54: {  	_ =	shalt  }
0x55: {  	_ =	shalt  }
0x56: {  	_ =	shalt  }
0x57: {  	_ =	shalt  }
0x58: {  	_ =	shalt  }
0x59: {  	_ =	shalt  }
0x5a: {  	_ =	shalt  }
0x5b: {  	_ =	shalt  }
0x5c: {  	_ =	shalt  }
0x5d: {  	_ =	shalt  }
0x5e: {  	_ =	shalt  }
0x5f: {  	_ =	shalt  }
0x60: {  	_ =	shalt  }
0x61: {  	_ =	shalt  }
0x62: {  	_ =	shalt  }
0x63: {  	_ =	shalt  }
0x64: {  	_ =	shalt  }
0x65: {  	_ =	shalt  }
0x66: {  	_ =	shalt  }
0x67: {  	_ =	shalt  }
0x68: {  	_ =	shalt  }
0x69: {  	_ =	shalt  }
0x6a: {  	_ =	shalt  }
0x6b: {  	_ =	shalt  }
0x6c: {  	_ =	shalt  }
0x6d: {  	_ =	shalt  }
0x6e: {  	_ =	shalt  }
0x6f: {  	_ =	shalt  }
0x70: {  	_ =	shalt  }
0x71: {  	_ =	shalt  }
0x72: {  	_ =	shalt  }
0x73: {  	_ =	shalt  }
0x74: {  	_ =	shalt  }
0x75: {  	_ =	shalt  }
0x76: {  	_ =	shalt  }
0x77: {  	_ =	shalt  }
0x78: {  	_ =	shalt  }
0x79: {  	_ =	shalt  }
0x7a: {  	_ =	shalt  }
0x7b: {  	_ =	shalt  }
0x7c: {  	_ =	shalt  }
0x7d: {  	_ =	shalt  }
0x7e: {  	_ =	shalt  }
0x7f: {  	_ =	shalt  }
0x80: {  	_ =	shalt  }
0x81: {  	_ =	shalt  }
0x82: {  	_ =	shalt  }
0x83: {  	_ =	shalt  }
0x84: {  	_ =	shalt  }
0x85: {  	_ =	shalt  }
0x86: {  	_ =	shalt  }
0x87: {  	_ =	shalt  }
.Lfunc_end0:
.L_simem_size_0:
called_computation.1_lowered:
.L_overlay_start_0:
0x88: {  	s2 =	sld [smem:$0x3FD9]  }
0x89: {  	s3 =	sld [smem:$0x3FFE];
	_ =	sdelay $0x1  }
0x8a: {  	s1 =	srdreg.scid  }
0x8b: {  	s0 =	sand.u32 $0x1, s1  }
0x8c: {  	s17 =	sshll.u32 s0, $0xA;
	s2 =	sadd.s32 s3, s2  }
0x8d: {  	s2 =	sadd.s32 s2, s17  }
0x8e: {  	[smem:$0x3FC2] =	sst s2  }
0x8f: {  	_ = 	snop  }
0x90: {  	s2 =	sld [smem:$0x3FD0];
	(tm) =	ssettm $0x1  }
0x91: {  	s18 =	sld [smem:$0x3FFB];
	_ =	sdelay $0x3  }
0x92: {  	_ =	strace s18  }
0x93: {  	s3 =	sld [smem:$0x3FFC];
	_ =	sdelay $0x3  }
0x94: {  	_ =	strace s3  }
0x95: {  	s3 =	sld [smem:$0x3FFD];
	_ =	sdelay $0x3  }
0x96: {  	_ =	strace s3  }
0x97: {  	_ =	strace $0x8FFFFFFF  }
0x98: {  	s19 =	sld [smem:$0x3FDB];
	_ =	sdelay $0x1  }
0x99: {  	s4 =	simm.s32 $_scs_section_size  }
0x9a: {  	s5 =	simm.s32 $_size__tile_overlayer_lowered;
	s6 =	simm.s32 $_tile_overlayer_lowered  }
0x9b: {  	s22 =	simm.s32 $0x1BFF;
	s21 =	sshll.u32 s6, $0x1;
	s3 =	sadd.s32 s4, s19  }
0x9c: {  	s7 =	simm.s32 $0x0;
	s20 =	sshll.u32 s5, $0x1;
	s5 =	sadd.s32 s21, s3  }
0x9d: {  	[timem:s7], [sflag:s22] =	dma.local [hbm:s5], s20  }
0x9e: {  	_ =	swait.ge [sflag:s22], s20  }
0x9f: {  	s4 =	ssub.s32 $0x0, s20;
	[sflag:s22] =	ssyncset.done $0x0  }
0xa0: {  	[sflag:s22] =	ssyncadd.s32 s4;
	_ =	sdelay $0x1  }
0xa1: {  	s23 =	simm.s32 $0x1B8B  }
0xa2: {  	_ =	swait.ge [sflag:s23], $0x1  }
0xa3: {  	[sflag:s23] =	ssyncset.done $0x0  }
0xa4: {  	s25 =	simm.s32 $0x1B8E;
	s24 =	sld [smem:$0x3FFE];
	[sflag:s23] =	ssyncadd.s32 $0xFFFFFFFF  }
0xa5: {  	s26 =	simm.s32 $execute0_lowered;
	[smem:$0x3FD2] =	sst s25  }
0xa6: {  	s5 =	sshll.u32 s26, $0x1;
	_ =	strace $0x80000049;
	[dreg:$0x1] =	wrdreg $0xFFFFFFFF  }
0xa7: {  	s28 =	simm.s32 $_size_execute0_lowered;
	s3 =	sadd.s32 s3, s5;
	[dreg:$0x0] =	wrdreg $0x0  }
0xa8: {  	s5 =	sshll.u32 s28, $0x1;
	[dreg:$0x2] =	wrdreg s3  }
0xa9: {  	[dreg:$0x3] =	wrdreg s5  }
0xaa: {  	[dreg:$0x4] =	wrdreg $0xC0  }
0xab: {  	_ =	task [dreg:s7], $0x5FFFF  }
0xac: {  	[dreg:$0x1] =	wrdreg $0xFFFFFFFF  }
0xad: {  	[dreg:$0x0] =	wrdreg $0x60  }
0xae: {  	[dreg:$0x2] =	wrdreg s24  }
0xaf: {  	[dreg:$0x3] =	wrdreg s2  }
0xb0: {  	[dreg:$0x4] =	wrdreg $0x81000  }
0xb1: {  	[dreg:$0x5] =	wrdreg $0x9  }
0xb2: {  	_ =	task.clear_ibuf [dreg:s7], $0x6FFFF;
	_ =	strace $0x90000049  }
0xb3: {  	s29 =	simm.s32 $0x9;
	_ =	strace $0x8000004B  }
0xb4: {  	_ =	swait.ge [sflag:s29], $0x1  }
0xb5: {  	[sflag:s29] =	ssyncadd.s32 $0xFFFFFFFF  }
0xb6: {  	_ =	strace $0x9000004B  }
0xb7: {  	_ =	sfence  }
0xb8: {  	s30 =	sld [smem:$0x0];
	_ =	sdelay $0x2  }
0xb9: {  	s31 =	sshll.u32 s1, $0xD;
	s1 =	sshrl.u32 s1, $0x2  }
0xba: {  	s3 =	sand.u32 $0x4000, s31;
	s1 =	sadd.s32 s1, s30  }
0xbb: {  	s0 =	sor.u32 s3, s0;
	s1 =	sshll.u32 s1, $0x11  }
0xbc: {  	s0 =	sor.u32 s1, s0  }
0xbd: {  	s0 =	sadd.s32 $0x8F2B, s0  }
0xbe: {  	[sflag:s0] =	ssyncadd.remote.s32 $0x1  }
0xbf: {  	_ =	sfence.sel $0xFFFF  }
0xc0: {  	[dreg:$0x0] =	wrdreg $0xFFFFFFFF;
	(pc) =	sbr.abs _section_cstart, $3  }
0xc1: {  	[dreg:$0x1] =	wrdreg $0xFFFFFFFF  }
0xc2: {  	_ =	task.clear_ibuf [dreg:s7], $0x2FFFF;
	_ =	strace $0x9FFFFFFF  }
0xc3: {  	(tm) =	ssettm $0x7FFFFFFF  }
tec
execute0_lowered:
.L_overlay_start_1:
0x0: {  	(tag) =	ssettag $0x1  }
0x1: {  	s11 =	rddreg [dreg:$0x0]  }
0x2: {  	s12 =	rddreg [dreg:$0x1]  }
0x3: {  	s2 =	rddreg [dreg:$0x2]  }
0x4: {  	s0 =	rddreg [dreg:$0x3];
	s3 =	simm.s32 $0x0  }
0x5: {  	s1 =	stileid.u32;
	s4 =	srdreg.scid;
	s16 =	simm.s32 $0xAD200  }
0x6: {  	s19 =	simm.s32 $0x0;
	[smem:$0x7FF] =	sst s3;
	s5 =	smul.u32 $0x50000, s1  }
0x7: {  	s10 =	sand.u32 $0x1, s4;
	s13 =	smul.u32 $0x9E0, s1;
	s4 =	sadd.s32 $0x5D200, s11  }
0x8: {  	s18 =	smul.u32 $0x2800, s1;
	_ =	strace $0x8000004A;
	s6 =	ssub.s32 $0x2, s10  }
0x9: {  	p0 =	seq.s32 s10, $0x1;
	s17 =	smul.u32 $0x4F0, s10;
	s5 =	sshrl.u32 s5, $0x2  }
0xa: {  	s7 =	sshrl.u32 s6, $0x1;
	s14 =	sadd.s32 s13, s11;
	s16 =	simm.s32 @!p0 $0x85200  }
0xb: {  	s12 =	sadd.s32 s13, s12;
	s5 =	sadd.s32 s5, s2;
	s15 =	ssub.s32 s6, s7  }
0xc: {  	s11 =	sadd.s32 s16, s11;
	s31 =	sadd.s32 s17, s14;
	s12 =	sadd.s32 s17, s12  }
0xd: {  	s14 =	simm.s32 $0x4100;
	s16 =	simm.s32 $0x80;
	s17 =	simm.s32 $0x100  }
0xe: {  	s6 =	sadd.s32 $0x4000, s5;
	s7 =	sadd.s32 $0x8000, s5;
	s8 =	sadd.s32 $0xC000, s5  }
0xf: {  	s9 =	sadd.s32 $0x10000, s5;
	s10 =	smax.u32 s15, $0x1;
	s11 =	sadd.s32 s11, s18  }
0x10: {  	v0 =	vimm.f32 $0.0e+00;
	s13 =	sadd.s32 $0x53400, s31;
	s15 =	simm.s32 $0x2;
	s18 =	simm.s32 $0x1  }
.LBB2_1:
0x11: {  	s20 =	sand.u32 $0xFE00, s3  }
0x12: {  	s21 =	sand.u32 $0x70, s3;
	s22 =	sshrl.u32 s20, $0x2  }
0x13: {  	s20 =	simm.s32 $0x40;
	s22 =	sor.u32 s21, s22;
	s21 =	simm.s32 $0x0  }
.LBB2_2:
0x14: {  	p0 =	sne.s32 s20, $0xFFC0  }
0x15: {  	[tilespmem:s22+$0x4100] =	vst v0;
	s21 =	sadd.s32 $0x10, s21;
	s22 =	smov.u32 s20;
	s20 =	sadd.s32 $0x40, s20  }
.Ltmp0:
0x16: {  	(pc) =	sbr.rel @p0 .LBB2_2-.Ltmp0, $4  }
0x17: {  	_ = 	snop  }
0x18: {  	s22 =	sand.u32 $0xFE00, s22  }
0x19: {  	s23 =	sand.u32 $0x70, s21;
	s22 =	sshrl.u32 s22, $0x2  }
0x1a: {  	s22 =	sor.u32 s23, s22  }
0x1b: {  	[tilespmem:s22+$0x4100] =	vst v0  }
0x1c: {  	[spmem:s5] =	stream.linear.scatter [tilespmem:s14], [sflag:$0x2], $0x4000, $0x38;
	[tilespmem:$0x1C100] =	vst v63  }
0x1d: {  	_ =	swait.ge [sflag:s15], $0x4000  }
0x1e: {  	[sflag:s15] =	ssyncset.done $0x0  }
0x1f: {  	[sflag:s15] =	ssyncadd.s32 $0xFFFFC000  }
0x20: {  	[spmem:s6] =	stream.linear.scatter [tilespmem:s14], [sflag:$0x2], $0x4000, $0x38;
	[tilespmem:$0x1C100] =	vst v63  }
0x21: {  	_ =	swait.ge [sflag:s15], $0x4000  }
0x22: {  	[sflag:s15] =	ssyncset.done $0x0  }
0x23: {  	[sflag:s15] =	ssyncadd.s32 $0xFFFFC000  }
0x24: {  	[spmem:s7] =	stream.linear.scatter [tilespmem:s14], [sflag:$0x2], $0x4000, $0x38;
	[tilespmem:$0x1C100] =	vst v63  }
0x25: {  	_ =	swait.ge [sflag:s15], $0x4000  }
0x26: {  	[sflag:s15] =	ssyncset.done $0x0  }
0x27: {  	[sflag:s15] =	ssyncadd.s32 $0xFFFFC000  }
0x28: {  	[spmem:s8] =	stream.linear.scatter [tilespmem:s14], [sflag:$0x2], $0x4000, $0x38;
	[tilespmem:$0x1C100] =	vst v63  }
0x29: {  	_ =	swait.ge [sflag:s15], $0x4000  }
0x2a: {  	[sflag:s15] =	ssyncset.done $0x0  }
0x2b: {  	[sflag:s15] =	ssyncadd.s32 $0xFFFFC000  }
0x2c: {  	[spmem:s9] =	stream.linear.scatter [tilespmem:s14], [sflag:$0x2], $0x4000, $0x38;
	[tilespmem:$0x1C100] =	vst v63  }
0x2d: {  	_ =	swait.ge [sflag:s15], $0x4000  }
0x2e: {  	[sflag:s15] =	ssyncset.done $0x0  }
0x2f: {  	[sflag:s15] =	ssyncadd.s32 $0xFFFFC000  }
0x30: {  	s20 =	sadd.s32 $0x0, s13;
	[bflag:$0x0] =	sbarrier.arrive $0xFFFF  }
0x31: {  	[tilespmem:s3], [sflag:$0x2] =	stream.linear.gather [hbm4b:s20+s3], $0x80, $0x38;
	[tilespmem:$0x1C100] =	vst v63  }
0x32: {  	_ =	swait.ge [sflag:s15], $0x80  }
0x33: {  	[sflag:s15] =	ssyncset.done $0x0  }
0x34: {  	s31 =	sadd.s32 $0x0, s12;
	[sflag:s15] =	ssyncadd.s32 $0xFFFFFF80  }
0x35: {  	[tilespmem:s16], [sflag:$0x2] =	stream.linear.gather [hbm4b:s31+s3], $0x80, $0x38;
	[tilespmem:$0x1C100] =	vst v63  }
0x36: {  	_ =	swait.ge [sflag:s15], $0x80  }
0x37: {  	[sflag:s15] =	ssyncset.done $0x0  }
0x38: {  	[sflag:s15] =	ssyncadd.s32 $0xFFFFFF80  }
0x39: {  	[tilespmem:s17], [sflag:$0x1] =	stream.indirect.gather [hbm4b:s4+s16], $0x80, s3, s16, $0xb8;
	[tilespmem:$0x1C100] =	vst v63  }
0x3a: {  	_ =	swait.ge [sflag:s18], $0x4000  }
0x3b: {  	[sflag:s18] =	ssyncset.done $0x0  }
0x3c: {  	[sflag:s18] =	ssyncadd.s32 $0xFFFFC000  }
0x3d: {  	[spmem:s2] =	stream.indirect.scatter.add.f32 [tilespmem:s17], [sflag:$0x2], $0x80, s16, s16, $0xb8;
	[tilespmem:$0x1C100] =	vst v63  }
0x3e: {  	_ =	swait.ge [sflag:s15], $0x4000  }
0x3f: {  	s21 =	simm.s32 $0x20;
	s20 =	simm.s32 $0x10;
	[sflag:s15] =	ssyncset.done $0x0  }
.LBB2_4:
0x40: {  	s22 =	sadd.s32 s20, s13  }
0x41: {  	[sflag:s15] =	ssyncadd.s32 $0xFFFFC000;
	s23 =	smov.u32 s21;
	s24 =	sadd.s32 $0x10, s21  }
0x42: {  	[tilespmem:s3], [sflag:$0x2] =	stream.linear.gather [hbm4b:s22+s3], $0x80, $0x38;
	[tilespmem:$0x1C100] =	vst v63  }
0x43: {  	p0 =	sne.s32 s21, $0x4E0;
	_ =	swait.ge [sflag:s15], $0x80  }
0x44: {  	[sflag:s15] =	ssyncset.done $0x0  }
0x45: {  	s21 =	sadd.s32 s20, s12;
	s20 =	smov.u32 s23;
	[sflag:s15] =	ssyncadd.s32 $0xFFFFFF80  }
0x46: {  	[tilespmem:s16], [sflag:$0x2] =	stream.linear.gather [hbm4b:s21+s3], $0x80, $0x38;
	[tilespmem:$0x1C100] =	vst v63  }
0x47: {  	_ =	swait.ge [sflag:s15], $0x80  }
0x48: {  	[sflag:s15] =	ssyncset.done $0x0  }
0x49: {  	[sflag:s15] =	ssyncadd.s32 $0xFFFFFF80  }
0x4a: {  	[tilespmem:s17], [sflag:$0x1] =	stream.indirect.gather [hbm4b:s4+s16], $0x80, s3, s16, $0xb8;
	[tilespmem:$0x1C100] =	vst v63  }
0x4b: {  	_ =	swait.ge [sflag:s18], $0x4000  }
.Ltmp1:
0x4c: {  	[sflag:s18] =	ssyncset.done $0x0;
	(pc) =	sbr.rel @p0 .LBB2_4-.Ltmp1, $4  }
0x4d: {  	[sflag:s18] =	ssyncadd.s32 $0xFFFFC000  }
0x4e: {  	[spmem:s2] =	stream.indirect.scatter.add.f32 [tilespmem:s17], [sflag:$0x2], $0x80, s16, s16, $0xb8;
	[tilespmem:$0x1C100] =	vst v63  }
0x4f: {  	_ =	swait.ge [sflag:s15], $0x4000  }
0x50: {  	s21 =	smov.u32 s24;
	[sflag:s15] =	ssyncset.done $0x0  }
0x51: {  	s21 =	sadd.s32 s20, s13;
	[sflag:s15] =	ssyncadd.s32 $0xFFFFC000  }
0x52: {  	[tilespmem:s3], [sflag:$0x2] =	stream.linear.gather [hbm4b:s21+s3], $0x80, $0x38;
	[tilespmem:$0x1C100] =	vst v63  }
0x53: {  	_ =	swait.ge [sflag:s15], $0x80  }
0x54: {  	[sflag:s15] =	ssyncset.done $0x0  }
0x55: {  	s29 =	sadd.s32 s20, s12;
	[sflag:s15] =	ssyncadd.s32 $0xFFFFFF80  }
0x56: {  	[tilespmem:s16], [sflag:$0x2] =	stream.linear.gather [hbm4b:s29+s3], $0x80, $0x38;
	[tilespmem:$0x1C100] =	vst v63  }
0x57: {  	_ =	swait.ge [sflag:s15], $0x80  }
0x58: {  	[sflag:s15] =	ssyncset.done $0x0  }
0x59: {  	[sflag:s15] =	ssyncadd.s32 $0xFFFFFF80  }
0x5a: {  	[tilespmem:s17], [sflag:$0x1] =	stream.indirect.gather [hbm4b:s4+s16], $0x80, s3, s16, $0xb8;
	[tilespmem:$0x1C100] =	vst v63  }
0x5b: {  	_ =	swait.ge [sflag:s18], $0x4000  }
0x5c: {  	[sflag:s18] =	ssyncset.done $0x0  }
0x5d: {  	[sflag:s18] =	ssyncadd.s32 $0xFFFFC000  }
0x5e: {  	[spmem:s2] =	stream.indirect.scatter.add.f32 [tilespmem:s17], [sflag:$0x2], $0x80, s16, s16, $0xb8;
	[tilespmem:$0x1C100] =	vst v63  }
0x5f: {  	_ =	swait.ge [sflag:s15], $0x4000  }
0x60: {  	s30 =	sshll.u32 s1, $0x6;
	s19 =	sadd.s32 $0x1, s19;
	[sflag:s15] =	ssyncset.done $0x0  }
0x61: {  	s31 =	sshrl.u32 s5, $0x3;
	p0 =	sne.s32 s19, s10;
	[sflag:s15] =	ssyncadd.s32 $0xFFFFC000  }
.Ltmp2:
0x62: {  	s20 =	sor.u32 $0x1C02, s30;
	[bflag:$0x0] =	sbarrier.arrive $0xFFFF;
	(pc) =	sbr.rel @p0 .LBB2_1-.Ltmp2, $4  }
0x63: {  	[hbm:s11], [sflag:s20] =	dma.local [spmem:s31], $0x2800  }
0x64: {  	_ =	swait.ge [sflag:s15], $0x2800  }
0x65: {  	[sflag:s15] =	ssyncset.done $0x0  }
0x66: {  	[sflag:s15] =	ssyncadd.s32 $0xFFFFD800  }
0x67: {  	_ =	sfence.sel $0x180000  }
0x68: {  	[bflag:$0x0] =	sbarrier.arrive $0xFFFF  }
0x69: {  	p0 =	sne.s32 s1, $0x0;
	_ =	strace $0x9000004A  }
0x6a: {  	s0 =	sadd.s32 @!p0 $0x100000, s0;
	[bflag:$0x2] =	sbarrier.arrive $0xFFFF  }
0x6b: {  	[sflag:s0] =	ssyncadd.tile.s32 @!p0 $0x1;
	_ =	shalt  }
.Lfunc_end2:
_tile_overlayer_lowered:
.L_overlay_start_2:
0x6c: {  	(tag) =	ssettag $0x2  }
0x6d: {  	s0 =	rddreg [dreg:$0x0];
	s2 =	stileid.u32  }
0x6e: {  	s1 =	rddreg [dreg:$0x1];
	p0 =	sne.s32 s2, $0x0  }
0x6f: {  	s3 =	rddreg [dreg:$0x2];
	[bflag:$0x3] =	sbarrier.arrive $0xFFFF;
	s2 =	simm.s32 @!p0 $0x1C02  }
0x70: {  	[timem:s3], [sflag:s2] =	dma.local @!p0 [hbm:s0], s1  }
0x71: {  	s0 =	simm.s32 @!p0 $0x2  }
0x72: {  	_ =	swait.ge @!p0 [sflag:s0], s1  }
0x73: {  	s1 =	ssub.s32 @!p0 $0x0, s1;
	[sflag:s0] =	ssyncset.done @!p0 $0x0  }
0x74: {  	[sflag:s0] =	ssyncadd.s32 @!p0 s1  }
0x75: {  	[bflag:$0x3] =	sbarrier.arrive $0xFFFF  }
0x76: {  	_ =	shalt  }

// kernel: kernel.14.cloned.1.call-start
scs
__scs_entry_jumppad:
0x0: {  	(pc) =	sbr.rel $0x88, $3  }
0x1: {  	(tag) =	ssettag $0x0;
	lr =	simm.s32 $0x1  }
0x2: {  	[smem:$0x3F9B] =	sst lr;
	_ =	strace $0xD0000000  }
0x3: {  	_ = 	snop  }
0x4: {  	_ = 	snop  }
0x5: {  	_ = 	snop  }
0x6: {  	_ = 	snop  }
0x7: {  	_ = 	snop  }
__scs_overlays_trampoline_lowered:
0x8: {  	[smem:$0x3FAA] =	sst s0  }
0x9: {  	[smem:$0x3FAB] =	sst s1  }
0xa: {  	[smem:$0x3FAC] =	sst s2  }
0xb: {  	[smem:$0x3FAD] =	sst s3  }
0xc: {  	[smem:$0x3FAE] =	sst s4  }
0xd: {  	[smem:$0x3FAF] =	sst s5  }
0xe: {  	[smem:$0x3FB0] =	sst s6  }
0xf: {  	[smem:$0x3FB1] =	sst s7  }
0x10: {  	[smem:$0x3FB2] =	sst s8  }
0x11: {  	[smem:$0x3FB3] =	sst s9;
	s0 =	simm.s32 @!p0 $0x0  }
0x12: {  	s1 =	sld [smem:$0x3F99];
	s0 =	simm.s32 @p0 $0x1  }
0x13: {  	[smem:$0x3FB4] =	sst s0;
	s0 =	simm.s32 @!p1 $0x0  }
0x14: {  	s2 =	sld [smem:$0x3F98];
	s0 =	simm.s32 @p1 $0x1  }
0x15: {  	[smem:$0x3FB5] =	sst s0;
	s0 =	simm.s32 @!p2 $0x0  }
0x16: {  	s3 =	sld [smem:$0x3FDB];
	s0 =	simm.s32 @p2 $0x1  }
0x17: {  	s4 =	simm.s32 $0x1BF5;
	[smem:$0x3FB7] =	sst s0  }
0x18: {  	s0 =	sld [smem:$0x3F9A];
	_ =	swait.ge [sflag:s4], $0x0  }
0x19: {  	s7 =	sld [smem:$0x3F9B]  }
0x1a: {  	s8 =	sadd.s32 $0xFFFFE003, lr  }
0x1b: {  	s9 =	sadd.s32 $0xFFFFFEF7, lr;
	s5 =	simm.s32 $0xFFFFFFFF;
	p2 =	slt.u32 s8, $0xFFFFF086  }
0x1c: {  	p1 =	slt.u32 s9, $0xF7A;
	s5 =	simm.s32 @!p2 $0x0  }
0x1d: {  	s5 =	simm.s32 @p1 $0x1;
	p0 =	seq.s32 s7, s2  }
0x1e: {  	s7 =	smul.u32 @!p0 $0xF7A, s2;
	p2 =	seq.s32 @!p0 s5, $0x0  }
0x1f: {  	s9 =	smul.u32 $0xF7A, s1;
	s8 =	simm.s32 @!p0 $0x1BF5;
	p2 =	por !p2, p0  }
0x20: {  	[sflag:s8] =	ssyncset.s32 @!p0 $0xFFFFF086;
	s6 =	sadd.s32 @!p0 s3, s7;
	s7 =	simm.s32 @!p0 $0x108  }
0x21: {  	s3 =	sadd.s32 s3, s9;
	s6 =	sadd.s32 @!p0 $0x88, s6;
	s7 =	simm.s32 @p2 $0x1082  }
0x22: {  	[simem:s7], [sflag:s8] =	dma.local @!p0 [hbm:s6], $0xF7A  }
0x23: {  	s9 =	sor.u32 $0xD0000000, s2;
	s6 =	simm.s32 $0x108;
	_ =	swait.ge @!p0 [sflag:s8], $0x0  }
0x24: {  	s3 =	sadd.s32 $0x88, s3;
	s6 =	simm.s32 @!p1 $0x1082;
	[sflag:s4] =	ssyncset.s32 $0xFFFFF086  }
0x25: {  	[simem:s6], [sflag:s4] =	dma.local [hbm:s3], $0xF7A  }
0x26: {  	[smem:$0x3F9B] =	sst s1;
	(tag) =	ssettag s2;
	_ =	strace s9  }
0x27: {  	s1 =	sld [smem:$0x3FAB]  }
0x28: {  	s2 =	sld [smem:$0x3FAC]  }
0x29: {  	s4 =	sld [smem:$0x3FAE]  }
0x2a: {  	p0 =	seq.s32 s5, $0x0;
	s5 =	sld [smem:$0x3FAF]  }
0x2b: {  	s6 =	sld [smem:$0x3FB0]  }
0x2c: {  	s7 =	sld [smem:$0x3FB1]  }
0x2d: {  	s3 =	simm.s32 $0x108;
	s8 =	sld [smem:$0x3FB2]  }
0x2e: {  	s3 =	simm.s32 @!p0 $0x1082;
	s9 =	sld [smem:$0x3FB3]  }
0x2f: {  	lr =	sadd.s32 s0, s3;
	s0 =	sld [smem:$0x3FAA]  }
0x30: {  	s3 =	sld [smem:$0x3FAD]  }
0x31: {  	[smem:$0x3FB6] =	sst s10  }
0x32: {  	s10 =	sld [smem:$0x3FB4];
	_ =	sdelay $0x3  }
0x33: {  	p0 =	seq.s32 s10, $0x1;
	s10 =	sld [smem:$0x3FB6];
	_ =	sdelay $0x3  }
0x34: {  	[smem:$0x3FB6] =	sst s10  }
0x35: {  	s10 =	sld [smem:$0x3FB5];
	_ =	sdelay $0x3  }
0x36: {  	p1 =	seq.s32 s10, $0x1;
	s10 =	sld [smem:$0x3FB6];
	_ =	sdelay $0x3  }
0x37: {  	[smem:$0x3FB6] =	sst s10  }
0x38: {  	s10 =	sld [smem:$0x3FB7]  }
0x39: {  	_ = 	snop;
	(pc) =	sbr.ind lr, $3  }
0x3a: {  	_ = 	snop  }
0x3b: {  	_ = 	snop  }
0x3c: {  	p2 =	seq.s32 s10, $0x1;
	s10 =	sld [smem:$0x3FB6]  }
0x3d: {  	_ =	shalt  }
0x3e: {  	_ =	shalt  }
0x3f: {  	_ =	shalt  }
0x40: {  	_ =	shalt  }
0x41: {  	_ =	shalt  }
0x42: {  	_ =	shalt  }
0x43: {  	_ =	shalt  }
0x44: {  	_ =	shalt  }
0x45: {  	_ =	shalt  }
0x46: {  	_ =	shalt  }
0x47: {  	_ =	shalt  }
0x48: {  	_ =	shalt  }
0x49: {  	_ =	shalt  }
0x4a: {  	_ =	shalt  }
0x4b: {  	_ =	shalt  }
0x4c: {  	_ =	shalt  }
0x4d: {  	_ =	shalt  }
0x4e: {  	_ =	shalt  }
0x4f: {  	_ =	shalt  }
0x50: {  	_ =	shalt  }
0x51: {  	_ =	shalt  }
0x52: {  	_ =	shalt  }
0x53: {  	_ =	shalt  }
0x54: {  	_ =	shalt  }
0x55: {  	_ =	shalt  }
0x56: {  	_ =	shalt  }
0x57: {  	_ =	shalt  }
0x58: {  	_ =	shalt  }
0x59: {  	_ =	shalt  }
0x5a: {  	_ =	shalt  }
0x5b: {  	_ =	shalt  }
0x5c: {  	_ =	shalt  }
0x5d: {  	_ =	shalt  }
0x5e: {  	_ =	shalt  }
0x5f: {  	_ =	shalt  }
0x60: {  	_ =	shalt  }
0x61: {  	_ =	shalt  }
0x62: {  	_ =	shalt  }
0x63: {  	_ =	shalt  }
0x64: {  	_ =	shalt  }
0x65: {  	_ =	shalt  }
0x66: {  	_ =	shalt  }
0x67: {  	_ =	shalt  }
0x68: {  	_ =	shalt  }
0x69: {  	_ =	shalt  }
0x6a: {  	_ =	shalt  }
0x6b: {  	_ =	shalt  }
0x6c: {  	_ =	shalt  }
0x6d: {  	_ =	shalt  }
0x6e: {  	_ =	shalt  }
0x6f: {  	_ =	shalt  }
0x70: {  	_ =	shalt  }
0x71: {  	_ =	shalt  }
0x72: {  	_ =	shalt  }
0x73: {  	_ =	shalt  }
0x74: {  	_ =	shalt  }
0x75: {  	_ =	shalt  }
0x76: {  	_ =	shalt  }
0x77: {  	_ =	shalt  }
0x78: {  	_ =	shalt  }
0x79: {  	_ =	shalt  }
0x7a: {  	_ =	shalt  }
0x7b: {  	_ =	shalt  }
0x7c: {  	_ =	shalt  }
0x7d: {  	_ =	shalt  }
0x7e: {  	_ =	shalt  }
0x7f: {  	_ =	shalt  }
0x80: {  	_ =	shalt  }
0x81: {  	_ =	shalt  }
0x82: {  	_ =	shalt  }
0x83: {  	_ =	shalt  }
0x84: {  	_ =	shalt  }
0x85: {  	_ =	shalt  }
0x86: {  	_ =	shalt  }
0x87: {  	_ =	shalt  }
.Lfunc_end0:
.L_simem_size_0:
called_computation.2_lowered:
.L_overlay_start_0:
0x88: {  	s2 =	sld [smem:$0x3FD9]  }
0x89: {  	s3 =	sld [smem:$0x3FFE];
	_ =	sdelay $0x1  }
0x8a: {  	s1 =	srdreg.scid  }
0x8b: {  	s0 =	sand.u32 $0x1, s1  }
0x8c: {  	s17 =	sshll.u32 s0, $0xA;
	s2 =	sadd.s32 s3, s2  }
0x8d: {  	s2 =	sadd.s32 s2, s17  }
0x8e: {  	[smem:$0x3FC2] =	sst s2  }
0x8f: {  	_ = 	snop  }
0x90: {  	s2 =	sld [smem:$0x3FD0];
	(tm) =	ssettm $0x1  }
0x91: {  	s18 =	sld [smem:$0x3FFB];
	_ =	sdelay $0x3  }
0x92: {  	_ =	strace s18  }
0x93: {  	s3 =	sld [smem:$0x3FFC];
	_ =	sdelay $0x3  }
0x94: {  	_ =	strace s3  }
0x95: {  	s3 =	sld [smem:$0x3FFD];
	_ =	sdelay $0x3  }
0x96: {  	_ =	strace s3  }
0x97: {  	_ =	strace $0x8FFFFFFF  }
0x98: {  	s19 =	sld [smem:$0x3FDB];
	_ =	sdelay $0x1  }
0x99: {  	s4 =	simm.s32 $_scs_section_size  }
0x9a: {  	s5 =	simm.s32 $_size__tile_overlayer_lowered;
	s6 =	simm.s32 $_tile_overlayer_lowered  }
0x9b: {  	s22 =	simm.s32 $0x1BFF;
	s21 =	sshll.u32 s6, $0x1;
	s3 =	sadd.s32 s4, s19  }
0x9c: {  	s7 =	simm.s32 $0x0;
	s20 =	sshll.u32 s5, $0x1;
	s5 =	sadd.s32 s21, s3  }
0x9d: {  	[timem:s7], [sflag:s22] =	dma.local [hbm:s5], s20  }
0x9e: {  	_ =	swait.ge [sflag:s22], s20  }
0x9f: {  	s4 =	ssub.s32 $0x0, s20;
	[sflag:s22] =	ssyncset.done $0x0  }
0xa0: {  	[sflag:s22] =	ssyncadd.s32 s4;
	_ =	sdelay $0x1  }
0xa1: {  	s23 =	simm.s32 $0x1B8B  }
0xa2: {  	_ =	swait.ge [sflag:s23], $0x1  }
0xa3: {  	[sflag:s23] =	ssyncset.done $0x0  }
0xa4: {  	s25 =	simm.s32 $0x1B8E;
	s24 =	sld [smem:$0x3FFE];
	[sflag:s23] =	ssyncadd.s32 $0xFFFFFFFF  }
0xa5: {  	s26 =	simm.s32 $execute0_lowered;
	[smem:$0x3FD2] =	sst s25  }
0xa6: {  	s5 =	sshll.u32 s26, $0x1;
	_ =	strace $0x8000004C;
	[dreg:$0x1] =	wrdreg $0xFFFFFFFF  }
0xa7: {  	s28 =	simm.s32 $_size_execute0_lowered;
	s3 =	sadd.s32 s3, s5;
	[dreg:$0x0] =	wrdreg $0x0  }
0xa8: {  	s5 =	sshll.u32 s28, $0x1;
	[dreg:$0x2] =	wrdreg s3  }
0xa9: {  	[dreg:$0x3] =	wrdreg s5  }
0xaa: {  	[dreg:$0x4] =	wrdreg $0xC0  }
0xab: {  	_ =	task [dreg:s7], $0x5FFFF  }
0xac: {  	[dreg:$0x1] =	wrdreg $0xFFFFFFFF  }
0xad: {  	[dreg:$0x0] =	wrdreg $0x60  }
0xae: {  	[dreg:$0x2] =	wrdreg s24  }
0xaf: {  	[dreg:$0x3] =	wrdreg s2  }
0xb0: {  	[dreg:$0x4] =	wrdreg $0x81000  }
0xb1: {  	[dreg:$0x5] =	wrdreg $0x9  }
0xb2: {  	_ =	task.clear_ibuf [dreg:s7], $0x6FFFF;
	_ =	strace $0x9000004C  }
0xb3: {  	s29 =	simm.s32 $0x9;
	_ =	strace $0x8000004E  }
0xb4: {  	_ =	swait.ge [sflag:s29], $0x1  }
0xb5: {  	[sflag:s29] =	ssyncadd.s32 $0xFFFFFFFF  }
0xb6: {  	_ =	strace $0x9000004E  }
0xb7: {  	_ =	sfence  }
0xb8: {  	s30 =	sld [smem:$0x0];
	_ =	sdelay $0x2  }
0xb9: {  	s31 =	sshll.u32 s1, $0xD;
	s1 =	sshrl.u32 s1, $0x2  }
0xba: {  	s3 =	sand.u32 $0x4000, s31;
	s1 =	sadd.s32 s1, s30  }
0xbb: {  	s0 =	sor.u32 s3, s0;
	s1 =	sshll.u32 s1, $0x11  }
0xbc: {  	s0 =	sor.u32 s1, s0  }
0xbd: {  	s0 =	sadd.s32 $0x8F2B, s0  }
0xbe: {  	[sflag:s0] =	ssyncadd.remote.s32 $0x1  }
0xbf: {  	_ =	sfence.sel $0xFFFF  }
0xc0: {  	[dreg:$0x0] =	wrdreg $0xFFFFFFFF;
	(pc) =	sbr.abs _section_cstart, $3  }
0xc1: {  	[dreg:$0x1] =	wrdreg $0xFFFFFFFF  }
0xc2: {  	_ =	task.clear_ibuf [dreg:s7], $0x2FFFF;
	_ =	strace $0x9FFFFFFF  }
0xc3: {  	(tm) =	ssettm $0x7FFFFFFF  }
tec
execute0_lowered:
.L_overlay_start_1:
0x0: {  	(tag) =	ssettag $0x1  }
0x1: {  	s11 =	rddreg [dreg:$0x0]  }
0x2: {  	s12 =	rddreg [dreg:$0x1]  }
0x3: {  	s2 =	rddreg [dreg:$0x2]  }
0x4: {  	s0 =	rddreg [dreg:$0x3];
	s3 =	simm.s32 $0x0  }
0x5: {  	s1 =	stileid.u32;
	s4 =	srdreg.scid;
	s16 =	simm.s32 $0xAD200  }
0x6: {  	s19 =	simm.s32 $0x0;
	[smem:$0x7FF] =	sst s3;
	s5 =	smul.u32 $0x50000, s1  }
0x7: {  	s10 =	sand.u32 $0x1, s4;
	s13 =	smul.u32 $0x9E0, s1;
	s4 =	sadd.s32 $0x5D200, s11  }
0x8: {  	s18 =	smul.u32 $0x2800, s1;
	_ =	strace $0x8000004D;
	s6 =	ssub.s32 $0x2, s10  }
0x9: {  	p0 =	seq.s32 s10, $0x1;
	s17 =	smul.u32 $0x4F0, s10;
	s5 =	sshrl.u32 s5, $0x2  }
0xa: {  	s7 =	sshrl.u32 s6, $0x1;
	s14 =	sadd.s32 s13, s11;
	s16 =	simm.s32 @!p0 $0x85200  }
0xb: {  	s12 =	sadd.s32 s13, s12;
	s5 =	sadd.s32 s5, s2;
	s15 =	ssub.s32 s6, s7  }
0xc: {  	s11 =	sadd.s32 s16, s11;
	s31 =	sadd.s32 s17, s14;
	s12 =	sadd.s32 s17, s12  }
0xd: {  	s14 =	simm.s32 $0x4100;
	s16 =	simm.s32 $0x80;
	s17 =	simm.s32 $0x100  }
0xe: {  	s6 =	sadd.s32 $0x4000, s5;
	s7 =	sadd.s32 $0x8000, s5;
	s8 =	sadd.s32 $0xC000, s5  }
0xf: {  	s9 =	sadd.s32 $0x10000, s5;
	s10 =	smax.u32 s15, $0x1;
	s11 =	sadd.s32 s11, s18  }
0x10: {  	v0 =	vimm.f32 $0.0e+00;
	s13 =	sadd.s32 $0x53400, s31;
	s15 =	simm.s32 $0x2;
	s18 =	simm.s32 $0x1  }
.LBB2_1:
0x11: {  	s20 =	sand.u32 $0xFE00, s3  }
0x12: {  	s21 =	sand.u32 $0x70, s3;
	s22 =	sshrl.u32 s20, $0x2  }
0x13: {  	s20 =	simm.s32 $0x40;
	s22 =	sor.u32 s21, s22;
	s21 =	simm.s32 $0x0  }
.LBB2_2:
0x14: {  	p0 =	sne.s32 s20, $0xFFC0  }
0x15: {  	[tilespmem:s22+$0x4100] =	vst v0;
	s21 =	sadd.s32 $0x10, s21;
	s22 =	smov.u32 s20;
	s20 =	sadd.s32 $0x40, s20  }
.Ltmp0:
0x16: {  	(pc) =	sbr.rel @p0 .LBB2_2-.Ltmp0, $4  }
0x17: {  	_ = 	snop  }
0x18: {  	s22 =	sand.u32 $0xFE00, s22  }
0x19: {  	s23 =	sand.u32 $0x70, s21;
	s22 =	sshrl.u32 s22, $0x2  }
0x1a: {  	s22 =	sor.u32 s23, s22  }
0x1b: {  	[tilespmem:s22+$0x4100] =	vst v0  }
0x1c: {  	[spmem:s5] =	stream.linear.scatter [tilespmem:s14], [sflag:$0x2], $0x4000, $0x38;
	[tilespmem:$0x1C100] =	vst v63  }
0x1d: {  	_ =	swait.ge [sflag:s15], $0x4000  }
0x1e: {  	[sflag:s15] =	ssyncset.done $0x0  }
0x1f: {  	[sflag:s15] =	ssyncadd.s32 $0xFFFFC000  }
0x20: {  	[spmem:s6] =	stream.linear.scatter [tilespmem:s14], [sflag:$0x2], $0x4000, $0x38;
	[tilespmem:$0x1C100] =	vst v63  }
0x21: {  	_ =	swait.ge [sflag:s15], $0x4000  }
0x22: {  	[sflag:s15] =	ssyncset.done $0x0  }
0x23: {  	[sflag:s15] =	ssyncadd.s32 $0xFFFFC000  }
0x24: {  	[spmem:s7] =	stream.linear.scatter [tilespmem:s14], [sflag:$0x2], $0x4000, $0x38;
	[tilespmem:$0x1C100] =	vst v63  }
0x25: {  	_ =	swait.ge [sflag:s15], $0x4000  }
0x26: {  	[sflag:s15] =	ssyncset.done $0x0  }
0x27: {  	[sflag:s15] =	ssyncadd.s32 $0xFFFFC000  }
0x28: {  	[spmem:s8] =	stream.linear.scatter [tilespmem:s14], [sflag:$0x2], $0x4000, $0x38;
	[tilespmem:$0x1C100] =	vst v63  }
0x29: {  	_ =	swait.ge [sflag:s15], $0x4000  }
0x2a: {  	[sflag:s15] =	ssyncset.done $0x0  }
0x2b: {  	[sflag:s15] =	ssyncadd.s32 $0xFFFFC000  }
0x2c: {  	[spmem:s9] =	stream.linear.scatter [tilespmem:s14], [sflag:$0x2], $0x4000, $0x38;
	[tilespmem:$0x1C100] =	vst v63  }
0x2d: {  	_ =	swait.ge [sflag:s15], $0x4000  }
0x2e: {  	[sflag:s15] =	ssyncset.done $0x0  }
0x2f: {  	[sflag:s15] =	ssyncadd.s32 $0xFFFFC000  }
0x30: {  	s20 =	sadd.s32 $0x0, s13;
	[bflag:$0x0] =	sbarrier.arrive $0xFFFF  }
0x31: {  	[tilespmem:s3], [sflag:$0x2] =	stream.linear.gather [hbm4b:s20+s3], $0x80, $0x38;
	[tilespmem:$0x1C100] =	vst v63  }
0x32: {  	_ =	swait.ge [sflag:s15], $0x80  }
0x33: {  	[sflag:s15] =	ssyncset.done $0x0  }
0x34: {  	s31 =	sadd.s32 $0x0, s12;
	[sflag:s15] =	ssyncadd.s32 $0xFFFFFF80  }
0x35: {  	[tilespmem:s16], [sflag:$0x2] =	stream.linear.gather [hbm4b:s31+s3], $0x80, $0x38;
	[tilespmem:$0x1C100] =	vst v63  }
0x36: {  	_ =	swait.ge [sflag:s15], $0x80  }
0x37: {  	[sflag:s15] =	ssyncset.done $0x0  }
0x38: {  	[sflag:s15] =	ssyncadd.s32 $0xFFFFFF80  }
0x39: {  	[tilespmem:s17], [sflag:$0x1] =	stream.indirect.gather [hbm4b:s4+s16], $0x80, s3, s16, $0xb8;
	[tilespmem:$0x1C100] =	vst v63  }
0x3a: {  	_ =	swait.ge [sflag:s18], $0x4000  }
0x3b: {  	[sflag:s18] =	ssyncset.done $0x0  }
0x3c: {  	[sflag:s18] =	ssyncadd.s32 $0xFFFFC000  }
0x3d: {  	[spmem:s2] =	stream.indirect.scatter.add.f32 [tilespmem:s17], [sflag:$0x2], $0x80, s16, s16, $0xb8;
	[tilespmem:$0x1C100] =	vst v63  }
0x3e: {  	_ =	swait.ge [sflag:s15], $0x4000  }
0x3f: {  	s21 =	simm.s32 $0x20;
	s20 =	simm.s32 $0x10;
	[sflag:s15] =	ssyncset.done $0x0  }
.LBB2_4:
0x40: {  	s22 =	sadd.s32 s20, s13  }
0x41: {  	[sflag:s15] =	ssyncadd.s32 $0xFFFFC000;
	s23 =	smov.u32 s21;
	s24 =	sadd.s32 $0x10, s21  }
0x42: {  	[tilespmem:s3], [sflag:$0x2] =	stream.linear.gather [hbm4b:s22+s3], $0x80, $0x38;
	[tilespmem:$0x1C100] =	vst v63  }
0x43: {  	p0 =	sne.s32 s21, $0x4E0;
	_ =	swait.ge [sflag:s15], $0x80  }
0x44: {  	[sflag:s15] =	ssyncset.done $0x0  }
0x45: {  	s21 =	sadd.s32 s20, s12;
	s20 =	smov.u32 s23;
	[sflag:s15] =	ssyncadd.s32 $0xFFFFFF80  }
0x46: {  	[tilespmem:s16], [sflag:$0x2] =	stream.linear.gather [hbm4b:s21+s3], $0x80, $0x38;
	[tilespmem:$0x1C100] =	vst v63  }
0x47: {  	_ =	swait.ge [sflag:s15], $0x80  }
0x48: {  	[sflag:s15] =	ssyncset.done $0x0  }
0x49: {  	[sflag:s15] =	ssyncadd.s32 $0xFFFFFF80  }
0x4a: {  	[tilespmem:s17], [sflag:$0x1] =	stream.indirect.gather [hbm4b:s4+s16], $0x80, s3, s16, $0xb8;
	[tilespmem:$0x1C100] =	vst v63  }
0x4b: {  	_ =	swait.ge [sflag:s18], $0x4000  }
.Ltmp1:
0x4c: {  	[sflag:s18] =	ssyncset.done $0x0;
	(pc) =	sbr.rel @p0 .LBB2_4-.Ltmp1, $4  }
0x4d: {  	[sflag:s18] =	ssyncadd.s32 $0xFFFFC000  }
0x4e: {  	[spmem:s2] =	stream.indirect.scatter.add.f32 [tilespmem:s17], [sflag:$0x2], $0x80, s16, s16, $0xb8;
	[tilespmem:$0x1C100] =	vst v63  }
0x4f: {  	_ =	swait.ge [sflag:s15], $0x4000  }
0x50: {  	s21 =	smov.u32 s24;
	[sflag:s15] =	ssyncset.done $0x0  }
0x51: {  	s21 =	sadd.s32 s20, s13;
	[sflag:s15] =	ssyncadd.s32 $0xFFFFC000  }
0x52: {  	[tilespmem:s3], [sflag:$0x2] =	stream.linear.gather [hbm4b:s21+s3], $0x80, $0x38;
	[tilespmem:$0x1C100] =	vst v63  }
0x53: {  	_ =	swait.ge [sflag:s15], $0x80  }
0x54: {  	[sflag:s15] =	ssyncset.done $0x0  }
0x55: {  	s29 =	sadd.s32 s20, s12;
	[sflag:s15] =	ssyncadd.s32 $0xFFFFFF80  }
0x56: {  	[tilespmem:s16], [sflag:$0x2] =	stream.linear.gather [hbm4b:s29+s3], $0x80, $0x38;
	[tilespmem:$0x1C100] =	vst v63  }
0x57: {  	_ =	swait.ge [sflag:s15], $0x80  }
0x58: {  	[sflag:s15] =	ssyncset.done $0x0  }
0x59: {  	[sflag:s15] =	ssyncadd.s32 $0xFFFFFF80  }
0x5a: {  	[tilespmem:s17], [sflag:$0x1] =	stream.indirect.gather [hbm4b:s4+s16], $0x80, s3, s16, $0xb8;
	[tilespmem:$0x1C100] =	vst v63  }
0x5b: {  	_ =	swait.ge [sflag:s18], $0x4000  }
0x5c: {  	[sflag:s18] =	ssyncset.done $0x0  }
0x5d: {  	[sflag:s18] =	ssyncadd.s32 $0xFFFFC000  }
0x5e: {  	[spmem:s2] =	stream.indirect.scatter.add.f32 [tilespmem:s17], [sflag:$0x2], $0x80, s16, s16, $0xb8;
	[tilespmem:$0x1C100] =	vst v63  }
0x5f: {  	_ =	swait.ge [sflag:s15], $0x4000  }
0x60: {  	s30 =	sshll.u32 s1, $0x6;
	s19 =	sadd.s32 $0x1, s19;
	[sflag:s15] =	ssyncset.done $0x0  }
0x61: {  	s31 =	sshrl.u32 s5, $0x3;
	p0 =	sne.s32 s19, s10;
	[sflag:s15] =	ssyncadd.s32 $0xFFFFC000  }
.Ltmp2:
0x62: {  	s20 =	sor.u32 $0x1C02, s30;
	[bflag:$0x0] =	sbarrier.arrive $0xFFFF;
	(pc) =	sbr.rel @p0 .LBB2_1-.Ltmp2, $4  }
0x63: {  	[hbm:s11], [sflag:s20] =	dma.local [spmem:s31], $0x2800  }
0x64: {  	_ =	swait.ge [sflag:s15], $0x2800  }
0x65: {  	[sflag:s15] =	ssyncset.done $0x0  }
0x66: {  	[sflag:s15] =	ssyncadd.s32 $0xFFFFD800  }
0x67: {  	_ =	sfence.sel $0x180000  }
0x68: {  	[bflag:$0x0] =	sbarrier.arrive $0xFFFF  }
0x69: {  	p0 =	sne.s32 s1, $0x0;
	_ =	strace $0x9000004D  }
0x6a: {  	s0 =	sadd.s32 @!p0 $0x100000, s0;
	[bflag:$0x2] =	sbarrier.arrive $0xFFFF  }
0x6b: {  	[sflag:s0] =	ssyncadd.tile.s32 @!p0 $0x1;
	_ =	shalt  }
.Lfunc_end2:
_tile_overlayer_lowered:
.L_overlay_start_2:
0x6c: {  	(tag) =	ssettag $0x2  }
0x6d: {  	s0 =	rddreg [dreg:$0x0];
	s2 =	stileid.u32  }
0x6e: {  	s1 =	rddreg [dreg:$0x1];
	p0 =	sne.s32 s2, $0x0  }
0x6f: {  	s3 =	rddreg [dreg:$0x2];
	[bflag:$0x3] =	sbarrier.arrive $0xFFFF;
	s2 =	simm.s32 @!p0 $0x1C02  }
0x70: {  	[timem:s3], [sflag:s2] =	dma.local @!p0 [hbm:s0], s1  }
0x71: {  	s0 =	simm.s32 @!p0 $0x2  }
0x72: {  	_ =	swait.ge @!p0 [sflag:s0], s1  }
0x73: {  	s1 =	ssub.s32 @!p0 $0x0, s1;
	[sflag:s0] =	ssyncset.done @!p0 $0x0  }
0x74: {  	[sflag:s0] =	ssyncadd.s32 @!p0 s1  }
0x75: {  	[bflag:$0x3] =	sbarrier.arrive $0xFFFF  }
0x76: {  	_ =	shalt  }

// kernel: kernel.8.cloned.1.call-start
scs
__scs_entry_jumppad:
0x0: {  	(pc) =	sbr.rel $0x88, $3  }
0x1: {  	(tag) =	ssettag $0x0;
	lr =	simm.s32 $0x1  }
0x2: {  	[smem:$0x3F9B] =	sst lr;
	_ =	strace $0xD0000000  }
0x3: {  	_ = 	snop  }
0x4: {  	_ = 	snop  }
0x5: {  	_ = 	snop  }
0x6: {  	_ = 	snop  }
0x7: {  	_ = 	snop  }
__scs_overlays_trampoline_lowered:
0x8: {  	[smem:$0x3FAA] =	sst s0  }
0x9: {  	[smem:$0x3FAB] =	sst s1  }
0xa: {  	[smem:$0x3FAC] =	sst s2  }
0xb: {  	[smem:$0x3FAD] =	sst s3  }
0xc: {  	[smem:$0x3FAE] =	sst s4  }
0xd: {  	[smem:$0x3FAF] =	sst s5  }
0xe: {  	[smem:$0x3FB0] =	sst s6  }
0xf: {  	[smem:$0x3FB1] =	sst s7  }
0x10: {  	[smem:$0x3FB2] =	sst s8  }
0x11: {  	[smem:$0x3FB3] =	sst s9;
	s0 =	simm.s32 @!p0 $0x0  }
0x12: {  	s1 =	sld [smem:$0x3F99];
	s0 =	simm.s32 @p0 $0x1  }
0x13: {  	[smem:$0x3FB4] =	sst s0;
	s0 =	simm.s32 @!p1 $0x0  }
0x14: {  	s2 =	sld [smem:$0x3F98];
	s0 =	simm.s32 @p1 $0x1  }
0x15: {  	[smem:$0x3FB5] =	sst s0;
	s0 =	simm.s32 @!p2 $0x0  }
0x16: {  	s3 =	sld [smem:$0x3FDB];
	s0 =	simm.s32 @p2 $0x1  }
0x17: {  	s4 =	simm.s32 $0x1BF5;
	[smem:$0x3FB7] =	sst s0  }
0x18: {  	s0 =	sld [smem:$0x3F9A];
	_ =	swait.ge [sflag:s4], $0x0  }
0x19: {  	s7 =	sld [smem:$0x3F9B]  }
0x1a: {  	s8 =	sadd.s32 $0xFFFFE003, lr  }
0x1b: {  	s9 =	sadd.s32 $0xFFFFFEF7, lr;
	s5 =	simm.s32 $0xFFFFFFFF;
	p2 =	slt.u32 s8, $0xFFFFF086  }
0x1c: {  	p1 =	slt.u32 s9, $0xF7A;
	s5 =	simm.s32 @!p2 $0x0  }
0x1d: {  	s5 =	simm.s32 @p1 $0x1;
	p0 =	seq.s32 s7, s2  }
0x1e: {  	s7 =	smul.u32 @!p0 $0xF7A, s2;
	p2 =	seq.s32 @!p0 s5, $0x0  }
0x1f: {  	s9 =	smul.u32 $0xF7A, s1;
	s8 =	simm.s32 @!p0 $0x1BF5;
	p2 =	por !p2, p0  }
0x20: {  	[sflag:s8] =	ssyncset.s32 @!p0 $0xFFFFF086;
	s6 =	sadd.s32 @!p0 s3, s7;
	s7 =	simm.s32 @!p0 $0x108  }
0x21: {  	s3 =	sadd.s32 s3, s9;
	s6 =	sadd.s32 @!p0 $0x88, s6;
	s7 =	simm.s32 @p2 $0x1082  }
0x22: {  	[simem:s7], [sflag:s8] =	dma.local @!p0 [hbm:s6], $0xF7A  }
0x23: {  	s9 =	sor.u32 $0xD0000000, s2;
	s6 =	simm.s32 $0x108;
	_ =	swait.ge @!p0 [sflag:s8], $0x0  }
0x24: {  	s3 =	sadd.s32 $0x88, s3;
	s6 =	simm.s32 @!p1 $0x1082;
	[sflag:s4] =	ssyncset.s32 $0xFFFFF086  }
0x25: {  	[simem:s6], [sflag:s4] =	dma.local [hbm:s3], $0xF7A  }
0x26: {  	[smem:$0x3F9B] =	sst s1;
	(tag) =	ssettag s2;
	_ =	strace s9  }
0x27: {  	s1 =	sld [smem:$0x3FAB]  }
0x28: {  	s2 =	sld [smem:$0x3FAC]  }
0x29: {  	s4 =	sld [smem:$0x3FAE]  }
0x2a: {  	p0 =	seq.s32 s5, $0x0;
	s5 =	sld [smem:$0x3FAF]  }
0x2b: {  	s6 =	sld [smem:$0x3FB0]  }
0x2c: {  	s7 =	sld [smem:$0x3FB1]  }
0x2d: {  	s3 =	simm.s32 $0x108;
	s8 =	sld [smem:$0x3FB2]  }
0x2e: {  	s3 =	simm.s32 @!p0 $0x1082;
	s9 =	sld [smem:$0x3FB3]  }
0x2f: {  	lr =	sadd.s32 s0, s3;
	s0 =	sld [smem:$0x3FAA]  }
0x30: {  	s3 =	sld [smem:$0x3FAD]  }
0x31: {  	[smem:$0x3FB6] =	sst s10  }
0x32: {  	s10 =	sld [smem:$0x3FB4];
	_ =	sdelay $0x3  }
0x33: {  	p0 =	seq.s32 s10, $0x1;
	s10 =	sld [smem:$0x3FB6];
	_ =	sdelay $0x3  }
0x34: {  	[smem:$0x3FB6] =	sst s10  }
0x35: {  	s10 =	sld [smem:$0x3FB5];
	_ =	sdelay $0x3  }
0x36: {  	p1 =	seq.s32 s10, $0x1;
	s10 =	sld [smem:$0x3FB6];
	_ =	sdelay $0x3  }
0x37: {  	[smem:$0x3FB6] =	sst s10  }
0x38: {  	s10 =	sld [smem:$0x3FB7]  }
0x39: {  	_ = 	snop;
	(pc) =	sbr.ind lr, $3  }
0x3a: {  	_ = 	snop  }
0x3b: {  	_ = 	snop  }
0x3c: {  	p2 =	seq.s32 s10, $0x1;
	s10 =	sld [smem:$0x3FB6]  }
0x3d: {  	_ =	shalt  }
0x3e: {  	_ =	shalt  }
0x3f: {  	_ =	shalt  }
0x40: {  	_ =	shalt  }
0x41: {  	_ =	shalt  }
0x42: {  	_ =	shalt  }
0x43: {  	_ =	shalt  }
0x44: {  	_ =	shalt  }
0x45: {  	_ =	shalt  }
0x46: {  	_ =	shalt  }
0x47: {  	_ =	shalt  }
0x48: {  	_ =	shalt  }
0x49: {  	_ =	shalt  }
0x4a: {  	_ =	shalt  }
0x4b: {  	_ =	shalt  }
0x4c: {  	_ =	shalt  }
0x4d: {  	_ =	shalt  }
0x4e: {  	_ =	shalt  }
0x4f: {  	_ =	shalt  }
0x50: {  	_ =	shalt  }
0x51: {  	_ =	shalt  }
0x52: {  	_ =	shalt  }
0x53: {  	_ =	shalt  }
0x54: {  	_ =	shalt  }
0x55: {  	_ =	shalt  }
0x56: {  	_ =	shalt  }
0x57: {  	_ =	shalt  }
0x58: {  	_ =	shalt  }
0x59: {  	_ =	shalt  }
0x5a: {  	_ =	shalt  }
0x5b: {  	_ =	shalt  }
0x5c: {  	_ =	shalt  }
0x5d: {  	_ =	shalt  }
0x5e: {  	_ =	shalt  }
0x5f: {  	_ =	shalt  }
0x60: {  	_ =	shalt  }
0x61: {  	_ =	shalt  }
0x62: {  	_ =	shalt  }
0x63: {  	_ =	shalt  }
0x64: {  	_ =	shalt  }
0x65: {  	_ =	shalt  }
0x66: {  	_ =	shalt  }
0x67: {  	_ =	shalt  }
0x68: {  	_ =	shalt  }
0x69: {  	_ =	shalt  }
0x6a: {  	_ =	shalt  }
0x6b: {  	_ =	shalt  }
0x6c: {  	_ =	shalt  }
0x6d: {  	_ =	shalt  }
0x6e: {  	_ =	shalt  }
0x6f: {  	_ =	shalt  }
0x70: {  	_ =	shalt  }
0x71: {  	_ =	shalt  }
0x72: {  	_ =	shalt  }
0x73: {  	_ =	shalt  }
0x74: {  	_ =	shalt  }
0x75: {  	_ =	shalt  }
0x76: {  	_ =	shalt  }
0x77: {  	_ =	shalt  }
0x78: {  	_ =	shalt  }
0x79: {  	_ =	shalt  }
0x7a: {  	_ =	shalt  }
0x7b: {  	_ =	shalt  }
0x7c: {  	_ =	shalt  }
0x7d: {  	_ =	shalt  }
0x7e: {  	_ =	shalt  }
0x7f: {  	_ =	shalt  }
0x80: {  	_ =	shalt  }
0x81: {  	_ =	shalt  }
0x82: {  	_ =	shalt  }
0x83: {  	_ =	shalt  }
0x84: {  	_ =	shalt  }
0x85: {  	_ =	shalt  }
0x86: {  	_ =	shalt  }
0x87: {  	_ =	shalt  }
.Lfunc_end0:
.L_simem_size_0:
called_computation_lowered:
.L_overlay_start_0:
0x88: {  	s2 =	sld [smem:$0x3FD9]  }
0x89: {  	s3 =	sld [smem:$0x3FFE];
	_ =	sdelay $0x1  }
0x8a: {  	s1 =	srdreg.scid  }
0x8b: {  	s0 =	sand.u32 $0x1, s1  }
0x8c: {  	s17 =	sshll.u32 s0, $0xA;
	s2 =	sadd.s32 s3, s2  }
0x8d: {  	s2 =	sadd.s32 s2, s17  }
0x8e: {  	[smem:$0x3FC2] =	sst s2  }
0x8f: {  	_ = 	snop  }
0x90: {  	s2 =	sld [smem:$0x3FD0];
	(tm) =	ssettm $0x1  }
0x91: {  	s18 =	sld [smem:$0x3FFB];
	_ =	sdelay $0x3  }
0x92: {  	_ =	strace s18  }
0x93: {  	s3 =	sld [smem:$0x3FFC];
	_ =	sdelay $0x3  }
0x94: {  	_ =	strace s3  }
0x95: {  	s3 =	sld [smem:$0x3FFD];
	_ =	sdelay $0x3  }
0x96: {  	_ =	strace s3  }
0x97: {  	_ =	strace $0x8FFFFFFF  }
0x98: {  	s19 =	sld [smem:$0x3FDB];
	_ =	sdelay $0x1  }
0x99: {  	s4 =	simm.s32 $_scs_section_size  }
0x9a: {  	s5 =	simm.s32 $_size__tile_overlayer_lowered;
	s6 =	simm.s32 $_tile_overlayer_lowered  }
0x9b: {  	s22 =	simm.s32 $0x1BFF;
	s21 =	sshll.u32 s6, $0x1;
	s3 =	sadd.s32 s4, s19  }
0x9c: {  	s7 =	simm.s32 $0x0;
	s20 =	sshll.u32 s5, $0x1;
	s5 =	sadd.s32 s21, s3  }
0x9d: {  	[timem:s7], [sflag:s22] =	dma.local [hbm:s5], s20  }
0x9e: {  	_ =	swait.ge [sflag:s22], s20  }
0x9f: {  	s4 =	ssub.s32 $0x0, s20;
	[sflag:s22] =	ssyncset.done $0x0  }
0xa0: {  	[sflag:s22] =	ssyncadd.s32 s4;
	_ =	sdelay $0x1  }
0xa1: {  	s23 =	simm.s32 $0x1B8B  }
0xa2: {  	_ =	swait.ge [sflag:s23], $0x1  }
0xa3: {  	[sflag:s23] =	ssyncset.done $0x0  }
0xa4: {  	s25 =	simm.s32 $0x1B8E;
	s24 =	sld [smem:$0x3FFE];
	[sflag:s23] =	ssyncadd.s32 $0xFFFFFFFF  }
0xa5: {  	s26 =	simm.s32 $execute0_lowered;
	[smem:$0x3FD2] =	sst s25  }
0xa6: {  	s5 =	sshll.u32 s26, $0x1;
	_ =	strace $0x80000046;
	[dreg:$0x1] =	wrdreg $0xFFFFFFFF  }
0xa7: {  	s28 =	simm.s32 $_size_execute0_lowered;
	s3 =	sadd.s32 s3, s5;
	[dreg:$0x0] =	wrdreg $0x0  }
0xa8: {  	s5 =	sshll.u32 s28, $0x1;
	[dreg:$0x2] =	wrdreg s3  }
0xa9: {  	[dreg:$0x3] =	wrdreg s5  }
0xaa: {  	[dreg:$0x4] =	wrdreg $0xC0  }
0xab: {  	_ =	task [dreg:s7], $0x5FFFF  }
0xac: {  	[dreg:$0x1] =	wrdreg $0xFFFFFFFF  }
0xad: {  	[dreg:$0x0] =	wrdreg $0x60  }
0xae: {  	[dreg:$0x2] =	wrdreg s2  }
0xaf: {  	[dreg:$0x3] =	wrdreg s24  }
0xb0: {  	[dreg:$0x4] =	wrdreg $0x80800  }
0xb1: {  	[dreg:$0x5] =	wrdreg $0x9  }
0xb2: {  	_ =	task.clear_ibuf [dreg:s7], $0x6FFFF;
	_ =	strace $0x90000046  }
0xb3: {  	s29 =	simm.s32 $0x9;
	_ =	strace $0x80000048  }
0xb4: {  	_ =	swait.ge [sflag:s29], $0x1  }
0xb5: {  	[sflag:s29] =	ssyncadd.s32 $0xFFFFFFFF  }
0xb6: {  	_ =	strace $0x90000048  }
0xb7: {  	_ =	sfence  }
0xb8: {  	s30 =	sld [smem:$0x0];
	_ =	sdelay $0x2  }
0xb9: {  	s31 =	sshll.u32 s1, $0xD;
	s1 =	sshrl.u32 s1, $0x2  }
0xba: {  	s3 =	sand.u32 $0x4000, s31;
	s1 =	sadd.s32 s1, s30  }
0xbb: {  	s0 =	sor.u32 s3, s0;
	s1 =	sshll.u32 s1, $0x11  }
0xbc: {  	s0 =	sor.u32 s1, s0  }
0xbd: {  	s0 =	sadd.s32 $0x8F2B, s0  }
0xbe: {  	[sflag:s0] =	ssyncadd.remote.s32 $0x1  }
0xbf: {  	_ =	sfence.sel $0xFFFF  }
0xc0: {  	[dreg:$0x0] =	wrdreg $0xFFFFFFFF;
	(pc) =	sbr.abs _section_cstart, $3  }
0xc1: {  	[dreg:$0x1] =	wrdreg $0xFFFFFFFF  }
0xc2: {  	_ =	task.clear_ibuf [dreg:s7], $0x2FFFF;
	_ =	strace $0x9FFFFFFF  }
0xc3: {  	(tm) =	ssettm $0x7FFFFFFF  }
tec
execute0_lowered:
.L_overlay_start_1:
0x0: {  	(tag) =	ssettag $0x1  }
0x1: {  	s10 =	rddreg [dreg:$0x0]  }
0x2: {  	s11 =	rddreg [dreg:$0x1]  }
0x3: {  	s2 =	rddreg [dreg:$0x2]  }
0x4: {  	s0 =	stileid.u32;
	s3 =	srdreg.scid  }
0x5: {  	s1 =	rddreg [dreg:$0x3];
	s14 =	simm.s32 $0x2B400;
	s4 =	smul.u32 $0x50000, s0  }
0x6: {  	s17 =	simm.s32 $0x0;
	s9 =	sand.u32 $0x1, s3;
	s13 =	smul.u32 $0x2800, s0  }
0x7: {  	s3 =	simm.s32 $0x0;
	s15 =	smul.u32 $0x9E0, s0;
	s31 =	sshll.u32 s0, $0x6  }
0x8: {  	s5 =	ssub.s32 $0x2, s9;
	[smem:$0x7FF] =	sst s3;
	p0 =	seq.s32 s9, $0x1  }
0x9: {  	s16 =	smul.u32 $0x4F0, s9;
	s4 =	sshrl.u32 s4, $0x2;
	s6 =	sshrl.u32 s5, $0x1  }
0xa: {  	_ =	strace $0x80000047;
	s14 =	simm.s32 @!p0 $0x3400;
	s30 =	sadd.s32 s15, s10  }
0xb: {  	s15 =	sor.u32 $0x1C01, s31;
	s4 =	sadd.s32 s4, s2;
	s12 =	ssub.s32 s5, s6  }
0xc: {  	s11 =	sadd.s32 s14, s11;
	s14 =	simm.s32 $0x80;
	s5 =	sadd.s32 $0x4000, s4  }
0xd: {  	s6 =	sadd.s32 $0x8000, s4;
	s7 =	sadd.s32 $0xC000, s4;
	s8 =	sadd.s32 $0x10000, s4  }
0xe: {  	s9 =	smax.u32 s12, $0x1;
	s10 =	sadd.s32 s11, s13;
	s11 =	sadd.s32 s16, s30  }
0xf: {  	v0 =	vimm.f32 $0.0e+00;
	v1 =	vimm.f32 $1.000000000e+00;
	s12 =	simm.s32 $0x4080;
	s13 =	simm.s32 $0x1;
	s16 =	sshrl.u32 s4, $0x3  }
.LBB2_1:
0x10: {  	s18 =	simm.s32 $0x0;
	s19 =	simm.s32 $0x0  }
.LBB2_2:
0x11: {  	p0 =	sne.s32 s19, $0xFFC0  }
.Ltmp0:
0x12: {  	_ = 	snop;
	(pc) =	sbr.rel @p0 .LBB2_2-.Ltmp0, $4  }
0x13: {  	s20 =	sand.u32 $0xFE00, s19  }
0x14: {  	s21 =	sand.u32 $0x70, s18;
	s20 =	sshrl.u32 s20, $0x2  }
0x15: {  	s20 =	sor.u32 s21, s20  }
0x16: {  	s18 =	sadd.s32 $0x10, s18;
	s19 =	sadd.s32 $0x40, s19;
	[tilespmem:s20+$0x4080] =	vst v0  }
0x17: {  	s18 =	simm.s32 $0x0  }
0x18: {  	s19 =	sand.u32 $0xFE00, s18  }
0x19: {  	s20 =	sand.u32 $0x70, s18;
	s21 =	sshrl.u32 s19, $0x2  }
0x1a: {  	s19 =	simm.s32 $0x40;
	s20 =	sor.u32 s20, s21  }
.LBB2_4:
0x1b: {  	p0 =	sne.s32 s19, $0xFFC0  }
0x1c: {  	[tilespmem:s20+$0x80] =	vst v1;
	s18 =	sadd.s32 $0x10, s18;
	s20 =	smov.u32 s19;
	s19 =	sadd.s32 $0x40, s19  }
.Ltmp1:
0x1d: {  	(pc) =	sbr.rel @p0 .LBB2_4-.Ltmp1, $4  }
0x1e: {  	_ = 	snop  }
0x1f: {  	s20 =	sand.u32 $0xFE00, s20  }
0x20: {  	s21 =	sand.u32 $0x70, s18;
	s20 =	sshrl.u32 s20, $0x2  }
0x21: {  	s20 =	sor.u32 s21, s20  }
0x22: {  	[tilespmem:s20+$0x80] =	vst v1  }
0x23: {  	[spmem:s4] =	stream.linear.scatter [tilespmem:s12], [sflag:$0x1], $0x4000, $0x38;
	[tilespmem:$0x1C080] =	vst v63  }
0x24: {  	_ =	swait.ge [sflag:s13], $0x4000  }
0x25: {  	[sflag:s13] =	ssyncset.done $0x0  }
0x26: {  	[sflag:s13] =	ssyncadd.s32 $0xFFFFC000  }
0x27: {  	[spmem:s5] =	stream.linear.scatter [tilespmem:s12], [sflag:$0x1], $0x4000, $0x38;
	[tilespmem:$0x1C080] =	vst v63  }
0x28: {  	_ =	swait.ge [sflag:s13], $0x4000  }
0x29: {  	[sflag:s13] =	ssyncset.done $0x0  }
0x2a: {  	[sflag:s13] =	ssyncadd.s32 $0xFFFFC000  }
0x2b: {  	[spmem:s6] =	stream.linear.scatter [tilespmem:s12], [sflag:$0x1], $0x4000, $0x38;
	[tilespmem:$0x1C080] =	vst v63  }
0x2c: {  	_ =	swait.ge [sflag:s13], $0x4000  }
0x2d: {  	[sflag:s13] =	ssyncset.done $0x0  }
0x2e: {  	[sflag:s13] =	ssyncadd.s32 $0xFFFFC000  }
0x2f: {  	[spmem:s7] =	stream.linear.scatter [tilespmem:s12], [sflag:$0x1], $0x4000, $0x38;
	[tilespmem:$0x1C080] =	vst v63  }
0x30: {  	_ =	swait.ge [sflag:s13], $0x4000  }
0x31: {  	[sflag:s13] =	ssyncset.done $0x0  }
0x32: {  	[sflag:s13] =	ssyncadd.s32 $0xFFFFC000  }
0x33: {  	[spmem:s8] =	stream.linear.scatter [tilespmem:s12], [sflag:$0x1], $0x4000, $0x38;
	[tilespmem:$0x1C080] =	vst v63  }
0x34: {  	_ =	swait.ge [sflag:s13], $0x4000  }
0x35: {  	[sflag:s13] =	ssyncset.done $0x0  }
0x36: {  	[sflag:s13] =	ssyncadd.s32 $0xFFFFC000  }
0x37: {  	s18 =	sadd.s32 $0x0, s11;
	[bflag:$0x0] =	sbarrier.arrive $0xFFFF  }
0x38: {  	[tilespmem:s3], [sflag:$0x1] =	stream.linear.gather [hbm4b:s18+s3], $0x80, $0x38;
	[tilespmem:$0x1C080] =	vst v63  }
0x39: {  	_ =	swait.ge [sflag:s13], $0x80  }
0x3a: {  	[sflag:s13] =	ssyncset.done $0x0  }
0x3b: {  	[sflag:s13] =	ssyncadd.s32 $0xFFFFFF80  }
0x3c: {  	[spmem:s2] =	stream.indirect.scatter.add.f32 [tilespmem:s14], [sflag:$0x1], $0x80, s3, s14, $0xb8;
	[tilespmem:$0x1C080] =	vst v63  }
0x3d: {  	_ =	swait.ge [sflag:s13], $0x4000  }
0x3e: {  	s19 =	simm.s32 $0x20;
	s18 =	simm.s32 $0x10;
	[sflag:s13] =	ssyncset.done $0x0  }
.LBB2_6:
0x3f: {  	s20 =	sadd.s32 s18, s11  }
0x40: {  	[sflag:s13] =	ssyncadd.s32 $0xFFFFC000;
	s18 =	smov.u32 s19;
	s21 =	sadd.s32 $0x10, s19  }
0x41: {  	[tilespmem:s3], [sflag:$0x1] =	stream.linear.gather [hbm4b:s20+s3], $0x80, $0x38;
	[tilespmem:$0x1C080] =	vst v63  }
0x42: {  	p0 =	sne.s32 s19, $0x4E0;
	_ =	swait.ge [sflag:s13], $0x80  }
.Ltmp2:
0x43: {  	[sflag:s13] =	ssyncset.done $0x0;
	(pc) =	sbr.rel @p0 .LBB2_6-.Ltmp2, $4  }
0x44: {  	[sflag:s13] =	ssyncadd.s32 $0xFFFFFF80  }
0x45: {  	[spmem:s2] =	stream.indirect.scatter.add.f32 [tilespmem:s14], [sflag:$0x1], $0x80, s3, s14, $0xb8;
	[tilespmem:$0x1C080] =	vst v63  }
0x46: {  	_ =	swait.ge [sflag:s13], $0x4000  }
0x47: {  	s19 =	smov.u32 s21;
	[sflag:s13] =	ssyncset.done $0x0  }
0x48: {  	s18 =	sadd.s32 s18, s11;
	[sflag:s13] =	ssyncadd.s32 $0xFFFFC000  }
0x49: {  	[tilespmem:s3], [sflag:$0x1] =	stream.linear.gather [hbm4b:s18+s3], $0x80, $0x38;
	[tilespmem:$0x1C080] =	vst v63  }
0x4a: {  	_ =	swait.ge [sflag:s13], $0x80  }
0x4b: {  	[sflag:s13] =	ssyncset.done $0x0  }
0x4c: {  	[sflag:s13] =	ssyncadd.s32 $0xFFFFFF80  }
0x4d: {  	[spmem:s2] =	stream.indirect.scatter.add.f32 [tilespmem:s14], [sflag:$0x1], $0x80, s3, s14, $0xb8;
	[tilespmem:$0x1C080] =	vst v63  }
0x4e: {  	_ =	swait.ge [sflag:s13], $0x4000  }
0x4f: {  	s17 =	sadd.s32 $0x1, s17;
	[sflag:s13] =	ssyncset.done $0x0  }
0x50: {  	p0 =	sne.s32 s17, s9;
	[sflag:s13] =	ssyncadd.s32 $0xFFFFC000  }
.Ltmp3:
0x51: {  	[bflag:$0x0] =	sbarrier.arrive $0xFFFF;
	(pc) =	sbr.rel @p0 .LBB2_1-.Ltmp3, $4  }
0x52: {  	[hbm:s10], [sflag:s15] =	dma.local [spmem:s16], $0x2800  }
0x53: {  	_ =	swait.ge [sflag:s13], $0x2800  }
0x54: {  	[sflag:s13] =	ssyncset.done $0x0  }
0x55: {  	[sflag:s13] =	ssyncadd.s32 $0xFFFFD800  }
0x56: {  	_ =	sfence.sel $0x180000  }
0x57: {  	[bflag:$0x0] =	sbarrier.arrive $0xFFFF  }
0x58: {  	p0 =	sne.s32 s0, $0x0;
	_ =	strace $0x90000047  }
0x59: {  	s0 =	sadd.s32 @!p0 $0x100000, s1;
	[bflag:$0x2] =	sbarrier.arrive $0xFFFF  }
0x5a: {  	[sflag:s0] =	ssyncadd.tile.s32 @!p0 $0x1;
	_ =	shalt  }
.Lfunc_end2:
_tile_overlayer_lowered:
.L_overlay_start_2:
0x5b: {  	(tag) =	ssettag $0x2  }
0x5c: {  	s0 =	rddreg [dreg:$0x0];
	s2 =	stileid.u32  }
0x5d: {  	s1 =	rddreg [dreg:$0x1];
	p0 =	sne.s32 s2, $0x0  }
0x5e: {  	s3 =	rddreg [dreg:$0x2];
	[bflag:$0x3] =	sbarrier.arrive $0xFFFF;
	s2 =	simm.s32 @!p0 $0x1C01  }
0x5f: {  	[timem:s3], [sflag:s2] =	dma.local @!p0 [hbm:s0], s1  }
0x60: {  	s0 =	simm.s32 @!p0 $0x1  }
0x61: {  	_ =	swait.ge @!p0 [sflag:s0], s1  }
0x62: {  	s1 =	ssub.s32 @!p0 $0x0, s1;
	[sflag:s0] =	ssyncset.done @!p0 $0x0  }
0x63: {  	[sflag:s0] =	ssyncadd.s32 @!p0 s1  }
0x64: {  	[bflag:$0x3] =	sbarrier.arrive $0xFFFF  }
0x65: {  	_ =	shalt  }

</sc_bundles>
